<compile_context>
chip_gen: v7x
topology: tpu7x:2x2x1
jax: 0.10.2.dev20260603
libtpu: 0.0.44.dev20260713+nightly
codegen_flags: <defaults>
</compile_context>

<pallas_src>
import jax
import jax.numpy as jnp
import numpy as np
from jax import lax
from jax.experimental import pallas as pl
from jax.experimental.pallas import tpu as pltpu
from jax.experimental.pallas import tpu_sc as plsc

VOCAB = 1000000
WDIM = 64
PDIM = 50
ODIM = WDIM + PDIM
OPAD = 120
DPAD = 56
NDIST = 104
MAXLEN = 31
B = 16384
TOK = B * MAXLEN

NC, NS, L = 2, 16, 16
NW = NC * NS

ROWS_W = B // NW
ROWS_C = 16
CHUNKS = ROWS_W // ROWS_C
C = ROWS_C * MAXLEN
GSUB = 128


def _body(idx_hbm, dst_hbm, len_hbm, word_hbm, dt_hbm, out_hbm,
          idx_v, dst_v, len_v, dt_sh, wslab, dslab,
          sem_w, sem_d):
    sid = lax.axis_index("s")
    wid = sid * NC + lax.axis_index("c")
    iota = lax.iota(jnp.int32, L)
    zero_i = jnp.zeros((L,), jnp.int32)
    zrow_i = jnp.full((L,), VOCAB, jnp.int32)

    @pl.when(sid == 0)
    def _stage():
        pltpu.sync_copy(dt_hbm, dt_sh)

    plsc.subcore_barrier()

    @pl.loop(0, CHUNKS)
    def _chunk(c):
        rowbase = wid * ROWS_W + c * ROWS_C
        tokbase = rowbase * MAXLEN

        pltpu.sync_copy(idx_hbm.at[pl.ds(tokbase, C)], idx_v)
        pltpu.sync_copy(dst_hbm.at[pl.ds(tokbase, C)], dst_v)
        pltpu.sync_copy(len_hbm.at[pl.ds(tokbase, C)], len_v)

        @pl.loop(0, C // L)
        def _grp(g):
            o = g * L
            e = lax.broadcast_in_dim(o.astype(jnp.int32), (L,), ()) + iota
            brow = lax.shift_right_logical(
                e * jnp.full((L,), 529, jnp.int32),
                jnp.full((L,), 14, jnp.int32))
            pos = e - brow * jnp.full((L,), MAXLEN, jnp.int32)
            lv = len_v[pl.ds(o, L)]
            msk = pos < lv
            icur = idx_v[pl.ds(o, L)]
            idx_v[pl.ds(o, L)] = jnp.where(msk, icur, zrow_i)
            dcur = dst_v[pl.ds(o, L)]
            dst_v[pl.ds(o, L)] = jnp.where(msk, dcur, zero_i)

        copies = []
        off = 0
        while off < C:
            n = min(GSUB, C - off)
            copies.append(pltpu.async_copy(
                word_hbm.at[idx_v.at[pl.ds(off, n)]],
                wslab.at[pl.ds(off, n)], sem_w))
            copies.append(pltpu.async_copy(
                dt_sh.at[dst_v.at[pl.ds(off, n)]],
                dslab.at[pl.ds(off, n)], sem_d))
            off += n
        for cp in copies:
            cp.wait()

        pltpu.sync_copy(wslab, out_hbm.at[pl.ds(tokbase, C), pl.ds(0, WDIM)])
        pltpu.sync_copy(dslab,
                        out_hbm.at[pl.ds(tokbase, C), pl.ds(WDIM, DPAD)])


@jax.jit
def _run(idx_f, dst_f, length, wext, dt0):
    mesh = plsc.VectorSubcoreMesh(core_axis_name="c", subcore_axis_name="s")
    return pl.kernel(
        _body,
        out_type=jax.ShapeDtypeStruct((TOK, OPAD), jnp.float32),
        mesh=mesh,
        compiler_params=pltpu.CompilerParams(
            needs_layout_passes=False, use_tc_tiling_on_sc=False),
        scratch_types=[
            pltpu.VMEM((C,), jnp.int32),
            pltpu.VMEM((C,), jnp.int32),
            pltpu.VMEM((C,), jnp.int32),
            pltpu.VMEM_SHARED((NDIST, DPAD), jnp.float32),
            pltpu.VMEM((C, WDIM), jnp.float32),
            pltpu.VMEM((C, DPAD), jnp.float32),
            pltpu.SemaphoreType.DMA,
            pltpu.SemaphoreType.DMA,
        ],
    )(idx_f, dst_f, length, wext, dt0)


def kernel(indices, dist, length, word_table, dist_table):
    wext = jnp.concatenate(
        [word_table, jnp.zeros((8, WDIM), word_table.dtype)], axis=0)
    dt0 = jnp.zeros((NDIST, DPAD), dist_table.dtype)
    dt0 = dt0.at[:dist_table.shape[0], :PDIM].set(dist_table).at[0].set(0.0)
    lenr = jnp.repeat(length.reshape(-1), MAXLEN)
    out = _run(indices.reshape(-1), dist.reshape(-1), lenr, wext, dt0)
    return out[:, :ODIM].reshape(B, MAXLEN, ODIM)

# --- scband reference (transcript-rebuilt; emitter-appended) ---
"""Pipeline reference for scband-embedding-56796647522689 (READ-ONLY COPY).

The authoritative reference and input builder live on the scoring server;
editing this copy changes nothing except your own understanding.
"""

import jax, jax.numpy as jnp
import numpy as np

VOCAB = 1000000
WDIM = 64
PDIM = 50
MAXLEN = 31
B = 16384


def setup_inputs(seed: int = 0) -> dict:
    key = jax.random.key(seed)
    k1, k2, k3, k4, k5 = jax.random.split(key, 5)
    indices = jax.random.randint(k1, (B, MAXLEN), 0, VOCAB, dtype=jnp.int32)
    dist = jax.random.randint(k2, (B, MAXLEN), 0, 100, dtype=jnp.int32)
    length = jax.random.randint(k3, (B,), 0, 32, dtype=jnp.int32)
    word_table = jax.random.normal(k4, (VOCAB, WDIM), dtype=jnp.float32)
    dist_table = jax.random.normal(k5, (100, PDIM), dtype=jnp.float32)
    return {
        "indices": indices,
        "dist": dist,
        "length": length,
        "word_table": word_table,
        "dist_table": dist_table,
    }


def reference(indices, dist, length, word_table, dist_table):
    # create_mask: [B] lengths -> [B, MAXLEN] float mask
    lens = length.reshape(-1)
    mask = (jnp.arange(MAXLEN, dtype=lens.dtype)[None, :] < lens[:, None]).astype(jnp.float32)
    mask = mask.reshape(indices.shape)[..., None]  # unsqueeze last dim
    # word embedding lookup (gather)
    word = jnp.take(word_table, indices, axis=0)
    # dist embedding with padding_idx=0 (row 0 forced to zero)
    dt = dist_table.at[0].set(0.0)
    d = jnp.take(dt, dist, axis=0)
    x = jnp.concatenate([word, d], axis=-1)
    x = x * mask
    return x

if __name__ == "__main__":
    import jax
    _d = setup_inputs()
    print(jax.jit(kernel)(*tuple(_d.values())))

</pallas_src>

<mosaic_0001>
#map = affine_map<(d0, d1) -> (0)>
#map1 = affine_map<(d0, d1) -> (0, 0)>
module attributes {stable_mosaic.version = 14 : i64} {
  func.func @_body(%arg0: i32, %arg1: i32, %arg2: memref<507904xi32, #tpu.memory_space<hbm>>, %arg3: memref<507904xi32, #tpu.memory_space<hbm>>, %arg4: memref<507904xi32, #tpu.memory_space<hbm>>, %arg5: memref<1000008x64xf32, #tpu.memory_space<hbm>>, %arg6: memref<104x56xf32, #tpu.memory_space<hbm>>, %arg7: memref<507904x120xf32, #tpu.memory_space<hbm>>, %arg8: memref<496xi32, #tpu.memory_space<vmem>>, %arg9: memref<496xi32, #tpu.memory_space<vmem>>, %arg10: memref<496xi32, #tpu.memory_space<vmem>>, %arg11: memref<104x56xf32, #tpu.memory_space<vmem_shared>>, %arg12: memref<496x64xf32, #tpu.memory_space<vmem>>, %arg13: memref<496x56xf32, #tpu.memory_space<vmem>>, %arg14: memref<!tpu.dma_semaphore, #tpu.memory_space<semaphore_mem>>, %arg15: memref<!tpu.dma_semaphore, #tpu.memory_space<semaphore_mem>>) attributes {dimension_semantics = [#tpu.dimension_semantics<core_parallel>, #tpu.dimension_semantics<subcore_parallel>], iteration_bounds = array<i64: 2, 16>, scalar_prefetch = 0 : i64, scratch_operands = 8 : i64, tpu.core_type = #tpu.core_type<sc_vector_subcore>, window_params = [{transform_indices = #map}, {transform_indices = #map}, {transform_indices = #map}, {transform_indices = #map1}, {transform_indices = #map1}, {transform_indices = #map1}]} {
    %mul3A = arith.constant 2 : i32
    %mul3A_0 = arith.muli %arg1, %mul3A : i32
    %add3A = arith.addi %mul3A_0, %arg0 : i32
    %iota3A = tpu.iota {dimensions = array<i32: 0>} : vector<16xi32>
    %broadcast_in_dim3A = arith.constant 0 : i32
    %broadcast_in_dim3A_1 = vector.broadcast %broadcast_in_dim3A : i32 to vector<16xi32>
    %broadcast_in_dim3A_2 = arith.constant 1000000 : i32
    %broadcast_in_dim3A_3 = vector.broadcast %broadcast_in_dim3A_2 : i32 to vector<16xi32>
    %eq3A = arith.constant 0 : i32
    %eq3A_4 = arith.cmpi eq, %arg1, %eq3A : i32
    %convert_element_type3A = arith.extui %eq3A_4 : i1 to i32
    %cond3A = arith.constant 0 : i32
    %cond3A_5 = arith.cmpi ne, %convert_element_type3A, %cond3A : i32
    scf.if %cond3A_5 {
      "tpu.region"() ({
        %run_scoped3A = tpu.sem_alloc : memref<!tpu.dma_semaphore, #tpu.memory_space<semaphore_mem>>
        tpu.enqueue_dma source(%arg6 : memref<104x56xf32, #tpu.memory_space<hbm>>) target(%arg11 : memref<104x56xf32, #tpu.memory_space<vmem_shared>>) target_semaphore(%run_scoped3A : memref<!tpu.dma_semaphore, #tpu.memory_space<semaphore_mem>>)
        tpu.wait_dma2 semaphore(%run_scoped3A : memref<!tpu.dma_semaphore, #tpu.memory_space<semaphore_mem>>) src(%arg6 : memref<104x56xf32, #tpu.memory_space<hbm>>) dst(%arg11 : memref<104x56xf32, #tpu.memory_space<vmem_shared>>)
        tpu.yield
      }) : () -> ()
    } else {
    }
    %barrier3A = arith.constant 0 : index
    tpu.barrier barrier_id(%barrier3A)
    %scan3A = arith.constant 0 : i32
    %scan3A_6 = arith.constant 32 : i32
    %scan3A_7 = arith.addi %scan3A, %scan3A_6 : i32
    %scan3A_8 = arith.constant 1 : i32
    scf.for %scan3A_10 = %scan3A to %scan3A_7 step %scan3A_8  : i32 {
      %mul3A_11 = arith.constant 1 : i32
      %mul3A_12 = arith.muli %scan3A_10, %mul3A_11 : i32
      %add3A_13 = arith.constant 0 : i32
      %add3A_14 = arith.addi %add3A_13, %mul3A_12 : i32
      %mul3A_15 = arith.constant 512 : i32
      %mul3A_16 = arith.muli %add3A, %mul3A_15 : i32
      %mul3A_17 = arith.constant 16 : i32
      %mul3A_18 = arith.muli %add3A_14, %mul3A_17 : i32
      %add3A_19 = arith.addi %mul3A_16, %mul3A_18 : i32
      %mul3A_20 = arith.constant 31 : i32
      %mul3A_21 = arith.muli %add3A_19, %mul3A_20 : i32
      "tpu.region"() ({
        %run_scoped3A = tpu.sem_alloc : memref<!tpu.dma_semaphore, #tpu.memory_space<semaphore_mem>>
        %dma_start3A_153 = tpu.memref_slice %arg2[%mul3A_21] : memref<507904xi32, #tpu.memory_space<hbm>> -> memref<496xi32, #tpu.memory_space<hbm>>
        %dma_start3A_154 = tpu.memref_slice %arg2[%mul3A_21] : memref<507904xi32, #tpu.memory_space<hbm>> -> memref<496xi32, #tpu.memory_space<hbm>>
        tpu.enqueue_dma source(%dma_start3A_154 : memref<496xi32, #tpu.memory_space<hbm>>) target(%arg8 : memref<496xi32, #tpu.memory_space<vmem>>) target_semaphore(%run_scoped3A : memref<!tpu.dma_semaphore, #tpu.memory_space<semaphore_mem>>)
        %dma_wait3A_155 = tpu.memref_slice %arg2[%mul3A_21] : memref<507904xi32, #tpu.memory_space<hbm>> -> memref<496xi32, #tpu.memory_space<hbm>>
        %dma_wait3A_156 = tpu.memref_slice %arg2[%mul3A_21] : memref<507904xi32, #tpu.memory_space<hbm>> -> memref<496xi32, #tpu.memory_space<hbm>>
        tpu.wait_dma2 semaphore(%run_scoped3A : memref<!tpu.dma_semaphore, #tpu.memory_space<semaphore_mem>>) src(%dma_wait3A_156 : memref<496xi32, #tpu.memory_space<hbm>>) dst(%arg8 : memref<496xi32, #tpu.memory_space<vmem>>)
        tpu.yield
      }) : () -> ()
      "tpu.region"() ({
        %run_scoped3A = tpu.sem_alloc : memref<!tpu.dma_semaphore, #tpu.memory_space<semaphore_mem>>
        %dma_start3A_153 = tpu.memref_slice %arg3[%mul3A_21] : memref<507904xi32, #tpu.memory_space<hbm>> -> memref<496xi32, #tpu.memory_space<hbm>>
        %dma_start3A_154 = tpu.memref_slice %arg3[%mul3A_21] : memref<507904xi32, #tpu.memory_space<hbm>> -> memref<496xi32, #tpu.memory_space<hbm>>
        tpu.enqueue_dma source(%dma_start3A_154 : memref<496xi32, #tpu.memory_space<hbm>>) target(%arg9 : memref<496xi32, #tpu.memory_space<vmem>>) target_semaphore(%run_scoped3A : memref<!tpu.dma_semaphore, #tpu.memory_space<semaphore_mem>>)
        %dma_wait3A_155 = tpu.memref_slice %arg3[%mul3A_21] : memref<507904xi32, #tpu.memory_space<hbm>> -> memref<496xi32, #tpu.memory_space<hbm>>
        %dma_wait3A_156 = tpu.memref_slice %arg3[%mul3A_21] : memref<507904xi32, #tpu.memory_space<hbm>> -> memref<496xi32, #tpu.memory_space<hbm>>
        tpu.wait_dma2 semaphore(%run_scoped3A : memref<!tpu.dma_semaphore, #tpu.memory_space<semaphore_mem>>) src(%dma_wait3A_156 : memref<496xi32, #tpu.memory_space<hbm>>) dst(%arg9 : memref<496xi32, #tpu.memory_space<vmem>>)
        tpu.yield
      }) : () -> ()
      "tpu.region"() ({
        %run_scoped3A = tpu.sem_alloc : memref<!tpu.dma_semaphore, #tpu.memory_space<semaphore_mem>>
        %dma_start3A_153 = tpu.memref_slice %arg4[%mul3A_21] : memref<507904xi32, #tpu.memory_space<hbm>> -> memref<496xi32, #tpu.memory_space<hbm>>
        %dma_start3A_154 = tpu.memref_slice %arg4[%mul3A_21] : memref<507904xi32, #tpu.memory_space<hbm>> -> memref<496xi32, #tpu.memory_space<hbm>>
        tpu.enqueue_dma source(%dma_start3A_154 : memref<496xi32, #tpu.memory_space<hbm>>) target(%arg10 : memref<496xi32, #tpu.memory_space<vmem>>) target_semaphore(%run_scoped3A : memref<!tpu.dma_semaphore, #tpu.memory_space<semaphore_mem>>)
        %dma_wait3A_155 = tpu.memref_slice %arg4[%mul3A_21] : memref<507904xi32, #tpu.memory_space<hbm>> -> memref<496xi32, #tpu.memory_space<hbm>>
        %dma_wait3A_156 = tpu.memref_slice %arg4[%mul3A_21] : memref<507904xi32, #tpu.memory_space<hbm>> -> memref<496xi32, #tpu.memory_space<hbm>>
        tpu.wait_dma2 semaphore(%run_scoped3A : memref<!tpu.dma_semaphore, #tpu.memory_space<semaphore_mem>>) src(%dma_wait3A_156 : memref<496xi32, #tpu.memory_space<hbm>>) dst(%arg10 : memref<496xi32, #tpu.memory_space<vmem>>)
        tpu.yield
      }) : () -> ()
      %scan3A_22 = arith.constant 0 : i32
      %scan3A_23 = arith.constant 31 : i32
      %scan3A_24 = arith.addi %scan3A_22, %scan3A_23 : i32
      %scan3A_25 = arith.constant 1 : i32
      scf.for %scan3A_153 = %scan3A_22 to %scan3A_24 step %scan3A_25  : i32 {
        %mul3A_154 = arith.constant 1 : i32
        %mul3A_155 = arith.muli %scan3A_153, %mul3A_154 : i32
        %add3A_156 = arith.constant 0 : i32
        %add3A_157 = arith.addi %add3A_156, %mul3A_155 : i32
        %mul3A_158 = arith.constant 16 : i32
        %mul3A_159 = arith.muli %add3A_157, %mul3A_158 : i32
        %broadcast_in_dim3A_160 = vector.broadcast %mul3A_159 : i32 to vector<16xi32>
        %add3A_161 = arith.addi %broadcast_in_dim3A_160, %iota3A : vector<16xi32>
        %broadcast_in_dim3A_162 = arith.constant 529 : i32
        %broadcast_in_dim3A_163 = vector.broadcast %broadcast_in_dim3A_162 : i32 to vector<16xi32>
        %mul3A_164 = arith.muli %add3A_161, %broadcast_in_dim3A_163 : vector<16xi32>
        %broadcast_in_dim3A_165 = arith.constant 14 : i32
        %broadcast_in_dim3A_166 = vector.broadcast %broadcast_in_dim3A_165 : i32 to vector<16xi32>
        %shift_right_logical3A = arith.shrui %mul3A_164, %broadcast_in_dim3A_166 : vector<16xi32>
        %broadcast_in_dim3A_167 = arith.constant 31 : i32
        %broadcast_in_dim3A_168 = vector.broadcast %broadcast_in_dim3A_167 : i32 to vector<16xi32>
        %mul3A_169 = arith.muli %shift_right_logical3A, %broadcast_in_dim3A_168 : vector<16xi32>
        %sub3A = arith.subi %add3A_161, %mul3A_169 : vector<16xi32>
        %get3A = arith.index_cast %mul3A_159 : i32 to index
        %get3A_170 = tpu.vector_load %arg10[%get3A] {strides = array<i32>} : memref<496xi32, #tpu.memory_space<vmem>>, vector<16xi32>,
        %lt3A = arith.cmpi slt, %sub3A, %get3A_170 : vector<16xi32>
        %get3A_171 = arith.index_cast %mul3A_159 : i32 to index
        %get3A_172 = tpu.vector_load %arg8[%get3A_171] {strides = array<i32>} : memref<496xi32, #tpu.memory_space<vmem>>, vector<16xi32>,
        %select_n3A = arith.select %lt3A, %get3A_172, %broadcast_in_dim3A_3 : vector<16xi1>, vector<16xi32>
        %swap3A = arith.index_cast %mul3A_159 : i32 to index
        %swap3A_173 = tpu.vector_load %arg8[%swap3A] {strides = array<i32>} : memref<496xi32, #tpu.memory_space<vmem>>, vector<16xi32>,
        tpu.vector_store %arg8[%swap3A], %select_n3A {strides = array<i32>} : memref<496xi32, #tpu.memory_space<vmem>>, vector<16xi32>,
        %get3A_174 = arith.index_cast %mul3A_159 : i32 to index
        %get3A_175 = tpu.vector_load %arg9[%get3A_174] {strides = array<i32>} : memref<496xi32, #tpu.memory_space<vmem>>, vector<16xi32>,
        %select_n3A_176 = arith.select %lt3A, %get3A_175, %broadcast_in_dim3A_1 : vector<16xi1>, vector<16xi32>
        %swap3A_177 = arith.index_cast %mul3A_159 : i32 to index
        %swap3A_178 = tpu.vector_load %arg9[%swap3A_177] {strides = array<i32>} : memref<496xi32, #tpu.memory_space<vmem>>, vector<16xi32>,
        tpu.vector_store %arg9[%swap3A_177], %select_n3A_176 {strides = array<i32>} : memref<496xi32, #tpu.memory_space<vmem>>, vector<16xi32>,
      }
      %scan3A_26 = arith.constant 31 : i32
      %dma_start3A = arith.constant 0 : i32
      %dma_start3A_27 = arith.constant 0 : i32
      %dma_start3A_28 = tpu.memref_slice %arg12[%dma_start3A, %dma_start3A_27] : memref<496x64xf32, #tpu.memory_space<vmem>> -> memref<128x64xf32, #tpu.memory_space<vmem>>
      %dma_start3A_29 = arith.constant 0 : i32
      %dma_start3A_30 = tpu.memref_slice %arg8[%dma_start3A_29] : memref<496xi32, #tpu.memory_space<vmem>> -> memref<128xi32, #tpu.memory_space<vmem>>
      %dma_start3A_31 = arith.constant 0 : i32
      %dma_start3A_32 = arith.constant 0 : i32
      %dma_start3A_33 = tpu.memref_slice %arg5[%dma_start3A_31, %dma_start3A_32] : memref<1000008x64xf32, #tpu.memory_space<hbm>> -> memref<1000008x64xf32, #tpu.memory_space<hbm>>
      tpu.enqueue_indirect_dma source(%dma_start3A_33 : memref<1000008x64xf32, #tpu.memory_space<hbm>>) target(%dma_start3A_28 : memref<128x64xf32, #tpu.memory_space<vmem>>) offsets(%dma_start3A_30 : memref<128xi32, #tpu.memory_space<vmem>>) semaphore(%arg14 : memref<!tpu.dma_semaphore, #tpu.memory_space<semaphore_mem>>)
      %dma_start3A_34 = arith.constant 0 : i32
      %dma_start3A_35 = arith.constant 0 : i32
      %dma_start3A_36 = tpu.memref_slice %arg13[%dma_start3A_34, %dma_start3A_35] : memref<496x56xf32, #tpu.memory_space<vmem>> -> memref<128x56xf32, #tpu.memory_space<vmem>>
      %dma_start3A_37 = arith.constant 0 : i32
      %dma_start3A_38 = tpu.memref_slice %arg9[%dma_start3A_37] : memref<496xi32, #tpu.memory_space<vmem>> -> memref<128xi32, #tpu.memory_space<vmem>>
      %dma_start3A_39 = arith.constant 0 : i32
      %dma_start3A_40 = arith.constant 0 : i32
      %dma_start3A_41 = tpu.memref_slice %arg11[%dma_start3A_39, %dma_start3A_40] : memref<104x56xf32, #tpu.memory_space<vmem_shared>> -> memref<104x56xf32, #tpu.memory_space<vmem_shared>>
      tpu.enqueue_indirect_dma source(%dma_start3A_41 : memref<104x56xf32, #tpu.memory_space<vmem_shared>>) target(%dma_start3A_36 : memref<128x56xf32, #tpu.memory_space<vmem>>) offsets(%dma_start3A_38 : memref<128xi32, #tpu.memory_space<vmem>>) semaphore(%arg15 : memref<!tpu.dma_semaphore, #tpu.memory_space<semaphore_mem>>)
      %dma_start3A_42 = arith.constant 128 : i32
      %dma_start3A_43 = arith.constant 0 : i32
      %dma_start3A_44 = tpu.memref_slice %arg12[%dma_start3A_42, %dma_start3A_43] : memref<496x64xf32, #tpu.memory_space<vmem>> -> memref<128x64xf32, #tpu.memory_space<vmem>>
      %dma_start3A_45 = arith.constant 128 : i32
      %dma_start3A_46 = tpu.memref_slice %arg8[%dma_start3A_45] : memref<496xi32, #tpu.memory_space<vmem>> -> memref<128xi32, #tpu.memory_space<vmem>>
      %dma_start3A_47 = arith.constant 0 : i32
      %dma_start3A_48 = arith.constant 0 : i32
      %dma_start3A_49 = tpu.memref_slice %arg5[%dma_start3A_47, %dma_start3A_48] : memref<1000008x64xf32, #tpu.memory_space<hbm>> -> memref<1000008x64xf32, #tpu.memory_space<hbm>>
      tpu.enqueue_indirect_dma source(%dma_start3A_49 : memref<1000008x64xf32, #tpu.memory_space<hbm>>) target(%dma_start3A_44 : memref<128x64xf32, #tpu.memory_space<vmem>>) offsets(%dma_start3A_46 : memref<128xi32, #tpu.memory_space<vmem>>) semaphore(%arg14 : memref<!tpu.dma_semaphore, #tpu.memory_space<semaphore_mem>>)
      %dma_start3A_50 = arith.constant 128 : i32
      %dma_start3A_51 = arith.constant 0 : i32
      %dma_start3A_52 = tpu.memref_slice %arg13[%dma_start3A_50, %dma_start3A_51] : memref<496x56xf32, #tpu.memory_space<vmem>> -> memref<128x56xf32, #tpu.memory_space<vmem>>
      %dma_start3A_53 = arith.constant 128 : i32
      %dma_start3A_54 = tpu.memref_slice %arg9[%dma_start3A_53] : memref<496xi32, #tpu.memory_space<vmem>> -> memref<128xi32, #tpu.memory_space<vmem>>
      %dma_start3A_55 = arith.constant 0 : i32
      %dma_start3A_56 = arith.constant 0 : i32
      %dma_start3A_57 = tpu.memref_slice %arg11[%dma_start3A_55, %dma_start3A_56] : memref<104x56xf32, #tpu.memory_space<vmem_shared>> -> memref<104x56xf32, #tpu.memory_space<vmem_shared>>
      tpu.enqueue_indirect_dma source(%dma_start3A_57 : memref<104x56xf32, #tpu.memory_space<vmem_shared>>) target(%dma_start3A_52 : memref<128x56xf32, #tpu.memory_space<vmem>>) offsets(%dma_start3A_54 : memref<128xi32, #tpu.memory_space<vmem>>) semaphore(%arg15 : memref<!tpu.dma_semaphore, #tpu.memory_space<semaphore_mem>>)
      %dma_start3A_58 = arith.constant 256 : i32
      %dma_start3A_59 = arith.constant 0 : i32
      %dma_start3A_60 = tpu.memref_slice %arg12[%dma_start3A_58, %dma_start3A_59] : memref<496x64xf32, #tpu.memory_space<vmem>> -> memref<128x64xf32, #tpu.memory_space<vmem>>
      %dma_start3A_61 = arith.constant 256 : i32
      %dma_start3A_62 = tpu.memref_slice %arg8[%dma_start3A_61] : memref<496xi32, #tpu.memory_space<vmem>> -> memref<128xi32, #tpu.memory_space<vmem>>
      %dma_start3A_63 = arith.constant 0 : i32
      %dma_start3A_64 = arith.constant 0 : i32
      %dma_start3A_65 = tpu.memref_slice %arg5[%dma_start3A_63, %dma_start3A_64] : memref<1000008x64xf32, #tpu.memory_space<hbm>> -> memref<1000008x64xf32, #tpu.memory_space<hbm>>
      tpu.enqueue_indirect_dma source(%dma_start3A_65 : memref<1000008x64xf32, #tpu.memory_space<hbm>>) target(%dma_start3A_60 : memref<128x64xf32, #tpu.memory_space<vmem>>) offsets(%dma_start3A_62 : memref<128xi32, #tpu.memory_space<vmem>>) semaphore(%arg14 : memref<!tpu.dma_semaphore, #tpu.memory_space<semaphore_mem>>)
      %dma_start3A_66 = arith.constant 256 : i32
      %dma_start3A_67 = arith.constant 0 : i32
      %dma_start3A_68 = tpu.memref_slice %arg13[%dma_start3A_66, %dma_start3A_67] : memref<496x56xf32, #tpu.memory_space<vmem>> -> memref<128x56xf32, #tpu.memory_space<vmem>>
      %dma_start3A_69 = arith.constant 256 : i32
      %dma_start3A_70 = tpu.memref_slice %arg9[%dma_start3A_69] : memref<496xi32, #tpu.memory_space<vmem>> -> memref<128xi32, #tpu.memory_space<vmem>>
      %dma_start3A_71 = arith.constant 0 : i32
      %dma_start3A_72 = arith.constant 0 : i32
      %dma_start3A_73 = tpu.memref_slice %arg11[%dma_start3A_71, %dma_start3A_72] : memref<104x56xf32, #tpu.memory_space<vmem_shared>> -> memref<104x56xf32, #tpu.memory_space<vmem_shared>>
      tpu.enqueue_indirect_dma source(%dma_start3A_73 : memref<104x56xf32, #tpu.memory_space<vmem_shared>>) target(%dma_start3A_68 : memref<128x56xf32, #tpu.memory_space<vmem>>) offsets(%dma_start3A_70 : memref<128xi32, #tpu.memory_space<vmem>>) semaphore(%arg15 : memref<!tpu.dma_semaphore, #tpu.memory_space<semaphore_mem>>)
      %dma_start3A_74 = arith.constant 384 : i32
      %dma_start3A_75 = arith.constant 0 : i32
      %dma_start3A_76 = tpu.memref_slice %arg12[%dma_start3A_74, %dma_start3A_75] : memref<496x64xf32, #tpu.memory_space<vmem>> -> memref<112x64xf32, #tpu.memory_space<vmem>>
      %dma_start3A_77 = arith.constant 384 : i32
      %dma_start3A_78 = tpu.memref_slice %arg8[%dma_start3A_77] : memref<496xi32, #tpu.memory_space<vmem>> -> memref<112xi32, #tpu.memory_space<vmem>>
      %dma_start3A_79 = arith.constant 0 : i32
      %dma_start3A_80 = arith.constant 0 : i32
      %dma_start3A_81 = tpu.memref_slice %arg5[%dma_start3A_79, %dma_start3A_80] : memref<1000008x64xf32, #tpu.memory_space<hbm>> -> memref<1000008x64xf32, #tpu.memory_space<hbm>>
      tpu.enqueue_indirect_dma source(%dma_start3A_81 : memref<1000008x64xf32, #tpu.memory_space<hbm>>) target(%dma_start3A_76 : memref<112x64xf32, #tpu.memory_space<vmem>>) offsets(%dma_start3A_78 : memref<112xi32, #tpu.memory_space<vmem>>) semaphore(%arg14 : memref<!tpu.dma_semaphore, #tpu.memory_space<semaphore_mem>>)
      %dma_start3A_82 = arith.constant 384 : i32
      %dma_start3A_83 = arith.constant 0 : i32
      %dma_start3A_84 = tpu.memref_slice %arg13[%dma_start3A_82, %dma_start3A_83] : memref<496x56xf32, #tpu.memory_space<vmem>> -> memref<112x56xf32, #tpu.memory_space<vmem>>
      %dma_start3A_85 = arith.constant 384 : i32
      %dma_start3A_86 = tpu.memref_slice %arg9[%dma_start3A_85] : memref<496xi32, #tpu.memory_space<vmem>> -> memref<112xi32, #tpu.memory_space<vmem>>
      %dma_start3A_87 = arith.constant 0 : i32
      %dma_start3A_88 = arith.constant 0 : i32
      %dma_start3A_89 = tpu.memref_slice %arg11[%dma_start3A_87, %dma_start3A_88] : memref<104x56xf32, #tpu.memory_space<vmem_shared>> -> memref<104x56xf32, #tpu.memory_space<vmem_shared>>
      tpu.enqueue_indirect_dma source(%dma_start3A_89 : memref<104x56xf32, #tpu.memory_space<vmem_shared>>) target(%dma_start3A_84 : memref<112x56xf32, #tpu.memory_space<vmem>>) offsets(%dma_start3A_86 : memref<112xi32, #tpu.memory_space<vmem>>) semaphore(%arg15 : memref<!tpu.dma_semaphore, #tpu.memory_space<semaphore_mem>>)
      %dma_wait3A = arith.constant 0 : i32
      %dma_wait3A_90 = arith.constant 0 : i32
      %dma_wait3A_91 = tpu.memref_slice %arg12[%dma_wait3A, %dma_wait3A_90] : memref<496x64xf32, #tpu.memory_space<vmem>> -> memref<128x64xf32, #tpu.memory_space<vmem>>
      %dma_wait3A_92 = arith.constant 0 : i32
      %dma_wait3A_93 = tpu.memref_slice %arg8[%dma_wait3A_92] : memref<496xi32, #tpu.memory_space<vmem>> -> memref<128xi32, #tpu.memory_space<vmem>>
      %dma_wait3A_94 = arith.constant 0 : i32
      %dma_wait3A_95 = arith.constant 0 : i32
      %dma_wait3A_96 = tpu.memref_slice %arg5[%dma_wait3A_94, %dma_wait3A_95] : memref<1000008x64xf32, #tpu.memory_space<hbm>> -> memref<1000008x64xf32, #tpu.memory_space<hbm>>
      tpu.wait_indirect_dma semaphore(%arg14 : memref<!tpu.dma_semaphore, #tpu.memory_space<semaphore_mem>>) src(%dma_wait3A_96 : memref<1000008x64xf32, #tpu.memory_space<hbm>>) dst(%dma_wait3A_91 : memref<128x64xf32, #tpu.memory_space<vmem>>)
      %dma_wait3A_97 = arith.constant 0 : i32
      %dma_wait3A_98 = arith.constant 0 : i32
      %dma_wait3A_99 = tpu.memref_slice %arg13[%dma_wait3A_97, %dma_wait3A_98] : memref<496x56xf32, #tpu.memory_space<vmem>> -> memref<128x56xf32, #tpu.memory_space<vmem>>
      %dma_wait3A_100 = arith.constant 0 : i32
      %dma_wait3A_101 = tpu.memref_slice %arg9[%dma_wait3A_100] : memref<496xi32, #tpu.memory_space<vmem>> -> memref<128xi32, #tpu.memory_space<vmem>>
      %dma_wait3A_102 = arith.constant 0 : i32
      %dma_wait3A_103 = arith.constant 0 : i32
      %dma_wait3A_104 = tpu.memref_slice %arg11[%dma_wait3A_102, %dma_wait3A_103] : memref<104x56xf32, #tpu.memory_space<vmem_shared>> -> memref<104x56xf32, #tpu.memory_space<vmem_shared>>
      tpu.wait_indirect_dma semaphore(%arg15 : memref<!tpu.dma_semaphore, #tpu.memory_space<semaphore_mem>>) src(%dma_wait3A_104 : memref<104x56xf32, #tpu.memory_space<vmem_shared>>) dst(%dma_wait3A_99 : memref<128x56xf32, #tpu.memory_space<vmem>>)
      %dma_wait3A_105 = arith.constant 128 : i32
      %dma_wait3A_106 = arith.constant 0 : i32
      %dma_wait3A_107 = tpu.memref_slice %arg12[%dma_wait3A_105, %dma_wait3A_106] : memref<496x64xf32, #tpu.memory_space<vmem>> -> memref<128x64xf32, #tpu.memory_space<vmem>>
      %dma_wait3A_108 = arith.constant 128 : i32
      %dma_wait3A_109 = tpu.memref_slice %arg8[%dma_wait3A_108] : memref<496xi32, #tpu.memory_space<vmem>> -> memref<128xi32, #tpu.memory_space<vmem>>
      %dma_wait3A_110 = arith.constant 0 : i32
      %dma_wait3A_111 = arith.constant 0 : i32
      %dma_wait3A_112 = tpu.memref_slice %arg5[%dma_wait3A_110, %dma_wait3A_111] : memref<1000008x64xf32, #tpu.memory_space<hbm>> -> memref<1000008x64xf32, #tpu.memory_space<hbm>>
      tpu.wait_indirect_dma semaphore(%arg14 : memref<!tpu.dma_semaphore, #tpu.memory_space<semaphore_mem>>) src(%dma_wait3A_112 : memref<1000008x64xf32, #tpu.memory_space<hbm>>) dst(%dma_wait3A_107 : memref<128x64xf32, #tpu.memory_space<vmem>>)
      %dma_wait3A_113 = arith.constant 128 : i32
      %dma_wait3A_114 = arith.constant 0 : i32
      %dma_wait3A_115 = tpu.memref_slice %arg13[%dma_wait3A_113, %dma_wait3A_114] : memref<496x56xf32, #tpu.memory_space<vmem>> -> memref<128x56xf32, #tpu.memory_space<vmem>>
      %dma_wait3A_116 = arith.constant 128 : i32
      %dma_wait3A_117 = tpu.memref_slice %arg9[%dma_wait3A_116] : memref<496xi32, #tpu.memory_space<vmem>> -> memref<128xi32, #tpu.memory_space<vmem>>
      %dma_wait3A_118 = arith.constant 0 : i32
      %dma_wait3A_119 = arith.constant 0 : i32
      %dma_wait3A_120 = tpu.memref_slice %arg11[%dma_wait3A_118, %dma_wait3A_119] : memref<104x56xf32, #tpu.memory_space<vmem_shared>> -> memref<104x56xf32, #tpu.memory_space<vmem_shared>>
      tpu.wait_indirect_dma semaphore(%arg15 : memref<!tpu.dma_semaphore, #tpu.memory_space<semaphore_mem>>) src(%dma_wait3A_120 : memref<104x56xf32, #tpu.memory_space<vmem_shared>>) dst(%dma_wait3A_115 : memref<128x56xf32, #tpu.memory_space<vmem>>)
      %dma_wait3A_121 = arith.constant 256 : i32
      %dma_wait3A_122 = arith.constant 0 : i32
      %dma_wait3A_123 = tpu.memref_slice %arg12[%dma_wait3A_121, %dma_wait3A_122] : memref<496x64xf32, #tpu.memory_space<vmem>> -> memref<128x64xf32, #tpu.memory_space<vmem>>
      %dma_wait3A_124 = arith.constant 256 : i32
      %dma_wait3A_125 = tpu.memref_slice %arg8[%dma_wait3A_124] : memref<496xi32, #tpu.memory_space<vmem>> -> memref<128xi32, #tpu.memory_space<vmem>>
      %dma_wait3A_126 = arith.constant 0 : i32
      %dma_wait3A_127 = arith.constant 0 : i32
      %dma_wait3A_128 = tpu.memref_slice %arg5[%dma_wait3A_126, %dma_wait3A_127] : memref<1000008x64xf32, #tpu.memory_space<hbm>> -> memref<1000008x64xf32, #tpu.memory_space<hbm>>
      tpu.wait_indirect_dma semaphore(%arg14 : memref<!tpu.dma_semaphore, #tpu.memory_space<semaphore_mem>>) src(%dma_wait3A_128 : memref<1000008x64xf32, #tpu.memory_space<hbm>>) dst(%dma_wait3A_123 : memref<128x64xf32, #tpu.memory_space<vmem>>)
      %dma_wait3A_129 = arith.constant 256 : i32
      %dma_wait3A_130 = arith.constant 0 : i32
      %dma_wait3A_131 = tpu.memref_slice %arg13[%dma_wait3A_129, %dma_wait3A_130] : memref<496x56xf32, #tpu.memory_space<vmem>> -> memref<128x56xf32, #tpu.memory_space<vmem>>
      %dma_wait3A_132 = arith.constant 256 : i32
      %dma_wait3A_133 = tpu.memref_slice %arg9[%dma_wait3A_132] : memref<496xi32, #tpu.memory_space<vmem>> -> memref<128xi32, #tpu.memory_space<vmem>>
      %dma_wait3A_134 = arith.constant 0 : i32
      %dma_wait3A_135 = arith.constant 0 : i32
      %dma_wait3A_136 = tpu.memref_slice %arg11[%dma_wait3A_134, %dma_wait3A_135] : memref<104x56xf32, #tpu.memory_space<vmem_shared>> -> memref<104x56xf32, #tpu.memory_space<vmem_shared>>
      tpu.wait_indirect_dma semaphore(%arg15 : memref<!tpu.dma_semaphore, #tpu.memory_space<semaphore_mem>>) src(%dma_wait3A_136 : memref<104x56xf32, #tpu.memory_space<vmem_shared>>) dst(%dma_wait3A_131 : memref<128x56xf32, #tpu.memory_space<vmem>>)
      %dma_wait3A_137 = arith.constant 384 : i32
      %dma_wait3A_138 = arith.constant 0 : i32
      %dma_wait3A_139 = tpu.memref_slice %arg12[%dma_wait3A_137, %dma_wait3A_138] : memref<496x64xf32, #tpu.memory_space<vmem>> -> memref<112x64xf32, #tpu.memory_space<vmem>>
      %dma_wait3A_140 = arith.constant 384 : i32
      %dma_wait3A_141 = tpu.memref_slice %arg8[%dma_wait3A_140] : memref<496xi32, #tpu.memory_space<vmem>> -> memref<112xi32, #tpu.memory_space<vmem>>
      %dma_wait3A_142 = arith.constant 0 : i32
      %dma_wait3A_143 = arith.constant 0 : i32
      %dma_wait3A_144 = tpu.memref_slice %arg5[%dma_wait3A_142, %dma_wait3A_143] : memref<1000008x64xf32, #tpu.memory_space<hbm>> -> memref<1000008x64xf32, #tpu.memory_space<hbm>>
      tpu.wait_indirect_dma semaphore(%arg14 : memref<!tpu.dma_semaphore, #tpu.memory_space<semaphore_mem>>) src(%dma_wait3A_144 : memref<1000008x64xf32, #tpu.memory_space<hbm>>) dst(%dma_wait3A_139 : memref<112x64xf32, #tpu.memory_space<vmem>>)
      %dma_wait3A_145 = arith.constant 384 : i32
      %dma_wait3A_146 = arith.constant 0 : i32
      %dma_wait3A_147 = tpu.memref_slice %arg13[%dma_wait3A_145, %dma_wait3A_146] : memref<496x56xf32, #tpu.memory_space<vmem>> -> memref<112x56xf32, #tpu.memory_space<vmem>>
      %dma_wait3A_148 = arith.constant 384 : i32
      %dma_wait3A_149 = tpu.memref_slice %arg9[%dma_wait3A_148] : memref<496xi32, #tpu.memory_space<vmem>> -> memref<112xi32, #tpu.memory_space<vmem>>
      %dma_wait3A_150 = arith.constant 0 : i32
      %dma_wait3A_151 = arith.constant 0 : i32
      %dma_wait3A_152 = tpu.memref_slice %arg11[%dma_wait3A_150, %dma_wait3A_151] : memref<104x56xf32, #tpu.memory_space<vmem_shared>> -> memref<104x56xf32, #tpu.memory_space<vmem_shared>>
      tpu.wait_indirect_dma semaphore(%arg15 : memref<!tpu.dma_semaphore, #tpu.memory_space<semaphore_mem>>) src(%dma_wait3A_152 : memref<104x56xf32, #tpu.memory_space<vmem_shared>>) dst(%dma_wait3A_147 : memref<112x56xf32, #tpu.memory_space<vmem>>)
      "tpu.region"() ({
        %run_scoped3A = tpu.sem_alloc : memref<!tpu.dma_semaphore, #tpu.memory_space<semaphore_mem>>
        %dma_start3A_153 = arith.constant 0 : i32
        %dma_start3A_154 = tpu.memref_slice %arg7[%mul3A_21, %dma_start3A_153] : memref<507904x120xf32, #tpu.memory_space<hbm>> -> memref<496x64xf32, #tpu.memory_space<hbm>>
        %dma_start3A_155 = arith.constant 0 : i32
        %dma_start3A_156 = tpu.memref_slice %arg7[%mul3A_21, %dma_start3A_155] : memref<507904x120xf32, #tpu.memory_space<hbm>> -> memref<496x64xf32, #tpu.memory_space<hbm>>
        tpu.enqueue_dma source(%arg12 : memref<496x64xf32, #tpu.memory_space<vmem>>) target(%dma_start3A_156 : memref<496x64xf32, #tpu.memory_space<hbm>>) target_semaphore(%run_scoped3A : memref<!tpu.dma_semaphore, #tpu.memory_space<semaphore_mem>>)
        %dma_wait3A_157 = arith.constant 0 : i32
        %dma_wait3A_158 = tpu.memref_slice %arg7[%mul3A_21, %dma_wait3A_157] : memref<507904x120xf32, #tpu.memory_space<hbm>> -> memref<496x64xf32, #tpu.memory_space<hbm>>
        %dma_wait3A_159 = arith.constant 0 : i32
        %dma_wait3A_160 = tpu.memref_slice %arg7[%mul3A_21, %dma_wait3A_159] : memref<507904x120xf32, #tpu.memory_space<hbm>> -> memref<496x64xf32, #tpu.memory_space<hbm>>
        tpu.wait_dma2 semaphore(%run_scoped3A : memref<!tpu.dma_semaphore, #tpu.memory_space<semaphore_mem>>) src(%arg12 : memref<496x64xf32, #tpu.memory_space<vmem>>) dst(%dma_wait3A_160 : memref<496x64xf32, #tpu.memory_space<hbm>>)
        tpu.yield
      }) : () -> ()
      "tpu.region"() ({
        %run_scoped3A = tpu.sem_alloc : memref<!tpu.dma_semaphore, #tpu.memory_space<semaphore_mem>>
        %dma_start3A_153 = arith.constant 64 : i32
        %dma_start3A_154 = tpu.memref_slice %arg7[%mul3A_21, %dma_start3A_153] : memref<507904x120xf32, #tpu.memory_space<hbm>> -> memref<496x56xf32, #tpu.memory_space<hbm>>
        %dma_start3A_155 = arith.constant 64 : i32
        %dma_start3A_156 = tpu.memref_slice %arg7[%mul3A_21, %dma_start3A_155] : memref<507904x120xf32, #tpu.memory_space<hbm>> -> memref<496x56xf32, #tpu.memory_space<hbm>>
        tpu.enqueue_dma source(%arg13 : memref<496x56xf32, #tpu.memory_space<vmem>>) target(%dma_start3A_156 : memref<496x56xf32, #tpu.memory_space<hbm>>) target_semaphore(%run_scoped3A : memref<!tpu.dma_semaphore, #tpu.memory_space<semaphore_mem>>)
        %dma_wait3A_157 = arith.constant 64 : i32
        %dma_wait3A_158 = tpu.memref_slice %arg7[%mul3A_21, %dma_wait3A_157] : memref<507904x120xf32, #tpu.memory_space<hbm>> -> memref<496x56xf32, #tpu.memory_space<hbm>>
        %dma_wait3A_159 = arith.constant 64 : i32
        %dma_wait3A_160 = tpu.memref_slice %arg7[%mul3A_21, %dma_wait3A_159] : memref<507904x120xf32, #tpu.memory_space<hbm>> -> memref<496x56xf32, #tpu.memory_space<hbm>>
        tpu.wait_dma2 semaphore(%run_scoped3A : memref<!tpu.dma_semaphore, #tpu.memory_space<semaphore_mem>>) src(%arg13 : memref<496x56xf32, #tpu.memory_space<vmem>>) dst(%dma_wait3A_160 : memref<496x56xf32, #tpu.memory_space<hbm>>)
        tpu.yield
      }) : () -> ()
    }
    %scan3A_9 = arith.constant 32 : i32
    return
  }
}

</mosaic_0001>

<sc_bundles>
// kernel: _run.3.cloned.1.call-start
scs
__scs_entry_jumppad:
0x0: {  	(pc) =	sbr.rel $0x88, $3  }
0x1: {  	(tag) =	ssettag $0x0;
	lr =	simm.s32 $0x1  }
0x2: {  	[smem:$0x3F9C] =	sst lr;
	_ =	strace $0xD0000000  }
0x3: {  	_ = 	snop  }
0x4: {  	_ = 	snop  }
0x5: {  	_ = 	snop  }
0x6: {  	_ = 	snop  }
0x7: {  	_ = 	snop  }
__scs_overlays_trampoline_lowered:
0x8: {  	[smem:$0x3FAB] =	sst s0  }
0x9: {  	[smem:$0x3FAC] =	sst s1  }
0xa: {  	[smem:$0x3FAD] =	sst s2  }
0xb: {  	[smem:$0x3FAE] =	sst s3  }
0xc: {  	[smem:$0x3FAF] =	sst s4  }
0xd: {  	[smem:$0x3FB0] =	sst s5  }
0xe: {  	[smem:$0x3FB1] =	sst s6  }
0xf: {  	[smem:$0x3FB2] =	sst s7  }
0x10: {  	[smem:$0x3FB3] =	sst s8  }
0x11: {  	[smem:$0x3FB4] =	sst s9;
	s0 =	simm.s32 @!p0 $0x0  }
0x12: {  	s1 =	sld [smem:$0x3F9A];
	s0 =	simm.s32 @p0 $0x1  }
0x13: {  	[smem:$0x3FB5] =	sst s0;
	s0 =	simm.s32 @!p1 $0x0  }
0x14: {  	s2 =	sld [smem:$0x3F99];
	s0 =	simm.s32 @p1 $0x1  }
0x15: {  	[smem:$0x3FB6] =	sst s0;
	s0 =	simm.s32 @!p2 $0x0  }
0x16: {  	s3 =	sld [smem:$0x3FDB];
	s0 =	simm.s32 @p2 $0x1  }
0x17: {  	s4 =	simm.s32 $0x1BF5;
	[smem:$0x3FB8] =	sst s0  }
0x18: {  	s0 =	sld [smem:$0x3F9B];
	_ =	swait.ge [sflag:s4], $0x0  }
0x19: {  	s7 =	sld [smem:$0x3F9C]  }
0x1a: {  	s8 =	sadd.s32 $0xFFFFE003, lr  }
0x1b: {  	s9 =	sadd.s32 $0xFFFFFEF7, lr;
	s5 =	simm.s32 $0xFFFFFFFF;
	p2 =	slt.u32 s8, $0xFFFFF086  }
0x1c: {  	p1 =	slt.u32 s9, $0xF7A;
	s5 =	simm.s32 @!p2 $0x0  }
0x1d: {  	s5 =	simm.s32 @p1 $0x1;
	p0 =	seq.s32 s7, s2  }
0x1e: {  	s7 =	smul.u32 @!p0 $0xF7A, s2;
	p2 =	seq.s32 @!p0 s5, $0x0  }
0x1f: {  	s9 =	smul.u32 $0xF7A, s1;
	s8 =	simm.s32 @!p0 $0x1BF5;
	p2 =	por !p2, p0  }
0x20: {  	[sflag:s8] =	ssyncset.s32 @!p0 $0xFFFFF086;
	s6 =	sadd.s32 @!p0 s3, s7;
	s7 =	simm.s32 @!p0 $0x108  }
0x21: {  	s3 =	sadd.s32 s3, s9;
	s6 =	sadd.s32 @!p0 $0x88, s6;
	s7 =	simm.s32 @p2 $0x1082  }
0x22: {  	[simem:s7], [sflag:s8] =	dma.local @!p0 [hbm:s6], $0xF7A  }
0x23: {  	s9 =	sor.u32 $0xD0000000, s2;
	s6 =	simm.s32 $0x108;
	_ =	swait.ge @!p0 [sflag:s8], $0x0  }
0x24: {  	s3 =	sadd.s32 $0x88, s3;
	s6 =	simm.s32 @!p1 $0x1082;
	[sflag:s4] =	ssyncset.s32 $0xFFFFF086  }
0x25: {  	[simem:s6], [sflag:s4] =	dma.local [hbm:s3], $0xF7A  }
0x26: {  	[smem:$0x3F9C] =	sst s1;
	(tag) =	ssettag s2;
	_ =	strace s9  }
0x27: {  	s1 =	sld [smem:$0x3FAC]  }
0x28: {  	s2 =	sld [smem:$0x3FAD]  }
0x29: {  	s4 =	sld [smem:$0x3FAF]  }
0x2a: {  	p0 =	seq.s32 s5, $0x0;
	s5 =	sld [smem:$0x3FB0]  }
0x2b: {  	s6 =	sld [smem:$0x3FB1]  }
0x2c: {  	s7 =	sld [smem:$0x3FB2]  }
0x2d: {  	s3 =	simm.s32 $0x108;
	s8 =	sld [smem:$0x3FB3]  }
0x2e: {  	s3 =	simm.s32 @!p0 $0x1082;
	s9 =	sld [smem:$0x3FB4]  }
0x2f: {  	lr =	sadd.s32 s0, s3;
	s0 =	sld [smem:$0x3FAB]  }
0x30: {  	s3 =	sld [smem:$0x3FAE]  }
0x31: {  	[smem:$0x3FB7] =	sst s10  }
0x32: {  	s10 =	sld [smem:$0x3FB5];
	_ =	sdelay $0x3  }
0x33: {  	p0 =	seq.s32 s10, $0x1;
	s10 =	sld [smem:$0x3FB7];
	_ =	sdelay $0x3  }
0x34: {  	[smem:$0x3FB7] =	sst s10  }
0x35: {  	s10 =	sld [smem:$0x3FB6];
	_ =	sdelay $0x3  }
0x36: {  	p1 =	seq.s32 s10, $0x1;
	s10 =	sld [smem:$0x3FB7];
	_ =	sdelay $0x3  }
0x37: {  	[smem:$0x3FB7] =	sst s10  }
0x38: {  	s10 =	sld [smem:$0x3FB8]  }
0x39: {  	_ = 	snop;
	(pc) =	sbr.ind lr, $3  }
0x3a: {  	_ = 	snop  }
0x3b: {  	_ = 	snop  }
0x3c: {  	p2 =	seq.s32 s10, $0x1;
	s10 =	sld [smem:$0x3FB7]  }
0x3d: {  	_ =	shalt  }
0x3e: {  	_ =	shalt  }
0x3f: {  	_ =	shalt  }
0x40: {  	_ =	shalt  }
0x41: {  	_ =	shalt  }
0x42: {  	_ =	shalt  }
0x43: {  	_ =	shalt  }
0x44: {  	_ =	shalt  }
0x45: {  	_ =	shalt  }
0x46: {  	_ =	shalt  }
0x47: {  	_ =	shalt  }
0x48: {  	_ =	shalt  }
0x49: {  	_ =	shalt  }
0x4a: {  	_ =	shalt  }
0x4b: {  	_ =	shalt  }
0x4c: {  	_ =	shalt  }
0x4d: {  	_ =	shalt  }
0x4e: {  	_ =	shalt  }
0x4f: {  	_ =	shalt  }
0x50: {  	_ =	shalt  }
0x51: {  	_ =	shalt  }
0x52: {  	_ =	shalt  }
0x53: {  	_ =	shalt  }
0x54: {  	_ =	shalt  }
0x55: {  	_ =	shalt  }
0x56: {  	_ =	shalt  }
0x57: {  	_ =	shalt  }
0x58: {  	_ =	shalt  }
0x59: {  	_ =	shalt  }
0x5a: {  	_ =	shalt  }
0x5b: {  	_ =	shalt  }
0x5c: {  	_ =	shalt  }
0x5d: {  	_ =	shalt  }
0x5e: {  	_ =	shalt  }
0x5f: {  	_ =	shalt  }
0x60: {  	_ =	shalt  }
0x61: {  	_ =	shalt  }
0x62: {  	_ =	shalt  }
0x63: {  	_ =	shalt  }
0x64: {  	_ =	shalt  }
0x65: {  	_ =	shalt  }
0x66: {  	_ =	shalt  }
0x67: {  	_ =	shalt  }
0x68: {  	_ =	shalt  }
0x69: {  	_ =	shalt  }
0x6a: {  	_ =	shalt  }
0x6b: {  	_ =	shalt  }
0x6c: {  	_ =	shalt  }
0x6d: {  	_ =	shalt  }
0x6e: {  	_ =	shalt  }
0x6f: {  	_ =	shalt  }
0x70: {  	_ =	shalt  }
0x71: {  	_ =	shalt  }
0x72: {  	_ =	shalt  }
0x73: {  	_ =	shalt  }
0x74: {  	_ =	shalt  }
0x75: {  	_ =	shalt  }
0x76: {  	_ =	shalt  }
0x77: {  	_ =	shalt  }
0x78: {  	_ =	shalt  }
0x79: {  	_ =	shalt  }
0x7a: {  	_ =	shalt  }
0x7b: {  	_ =	shalt  }
0x7c: {  	_ =	shalt  }
0x7d: {  	_ =	shalt  }
0x7e: {  	_ =	shalt  }
0x7f: {  	_ =	shalt  }
0x80: {  	_ =	shalt  }
0x81: {  	_ =	shalt  }
0x82: {  	_ =	shalt  }
0x83: {  	_ =	shalt  }
0x84: {  	_ =	shalt  }
0x85: {  	_ =	shalt  }
0x86: {  	_ =	shalt  }
0x87: {  	_ =	shalt  }
.Lfunc_end0:
.L_simem_size_0:
called_computation.1_lowered:
.L_overlay_start_0:
0x88: {  	s2 =	sld [smem:$0x3FD9]  }
0x89: {  	s3 =	sld [smem:$0x3FFE];
	_ =	sdelay $0x1  }
0x8a: {  	s1 =	srdreg.scid  }
0x8b: {  	s0 =	sand.u32 $0x1, s1  }
0x8c: {  	s17 =	sshll.u32 s0, $0xA;
	s2 =	sadd.s32 s3, s2  }
0x8d: {  	s2 =	sadd.s32 s2, s17  }
0x8e: {  	[smem:$0x3FC3] =	sst s2  }
0x8f: {  	_ = 	snop  }
0x90: {  	s2 =	sld [smem:$0x3FC9]  }
0x91: {  	s18 =	sld [smem:$0x3FC8]  }
0x92: {  	s4 =	sld [smem:$0x3FC7]  }
0x93: {  	s5 =	sld [smem:$0x3FD0];
	(tm) =	ssettm $0x1  }
0x94: {  	s6 =	sld [smem:$0x3FFB];
	_ =	sdelay $0x3  }
0x95: {  	_ =	strace s6  }
0x96: {  	s6 =	sld [smem:$0x3FFC];
	_ =	sdelay $0x3  }
0x97: {  	_ =	strace s6  }
0x98: {  	s6 =	sld [smem:$0x3FFD];
	_ =	sdelay $0x3  }
0x99: {  	_ =	strace s6  }
0x9a: {  	_ =	strace $0x8FFFFFFF  }
0x9b: {  	s19 =	sld [smem:$0x3FDB];
	_ =	sdelay $0x1  }
0x9c: {  	s7 =	simm.s32 $_scs_section_size  }
0x9d: {  	s8 =	simm.s32 $_size__tile_overlayer_lowered;
	s9 =	simm.s32 $_tile_overlayer_lowered  }
0x9e: {  	s22 =	simm.s32 $0x1BFF;
	s21 =	sshll.u32 s9, $0x1;
	s6 =	sadd.s32 s7, s19  }
0x9f: {  	s10 =	simm.s32 $0x0;
	s20 =	sshll.u32 s8, $0x1;
	s8 =	sadd.s32 s21, s6  }
0xa0: {  	[timem:s10], [sflag:s22] =	dma.local [hbm:s8], s20  }
0xa1: {  	_ =	swait.ge [sflag:s22], s20  }
0xa2: {  	s7 =	ssub.s32 $0x0, s20;
	[sflag:s22] =	ssyncset.done $0x0  }
0xa3: {  	[sflag:s22] =	ssyncadd.s32 s7;
	_ =	sdelay $0x1  }
0xa4: {  	s23 =	simm.s32 $0x1B8B  }
0xa5: {  	_ =	swait.ge [sflag:s23], $0x1  }
0xa6: {  	[sflag:s23] =	ssyncset.done $0x0  }
0xa7: {  	s25 =	simm.s32 $0x1B8E;
	s24 =	sld [smem:$0x3FFE];
	[sflag:s23] =	ssyncadd.s32 $0xFFFFFFFF  }
0xa8: {  	s26 =	simm.s32 $execute0_lowered;
	[smem:$0x3FD2] =	sst s25  }
0xa9: {  	s8 =	sshll.u32 s26, $0x1;
	_ =	strace $0x80000046;
	[dreg:$0x1] =	wrdreg $0xFFFFFFFF  }
0xaa: {  	s28 =	simm.s32 $_size_execute0_lowered;
	s6 =	sadd.s32 s6, s8;
	[dreg:$0x0] =	wrdreg $0x0  }
0xab: {  	s8 =	sshll.u32 s28, $0x1;
	[dreg:$0x2] =	wrdreg s6  }
0xac: {  	[dreg:$0x3] =	wrdreg s8  }
0xad: {  	[dreg:$0x4] =	wrdreg $0xC0  }
0xae: {  	_ =	task [dreg:s10], $0x5FFFF  }
0xaf: {  	[dreg:$0x1] =	wrdreg $0xFFFFFFFF  }
0xb0: {  	[dreg:$0x0] =	wrdreg $0x60  }
0xb1: {  	[dreg:$0x2] =	wrdreg s2  }
0xb2: {  	[dreg:$0x3] =	wrdreg s18  }
0xb3: {  	[dreg:$0x4] =	wrdreg s4  }
0xb4: {  	[dreg:$0x5] =	wrdreg s24  }
0xb5: {  	[dreg:$0x6] =	wrdreg s5  }
0xb6: {  	[dreg:$0x7] =	wrdreg $0x5D00  }
0xb7: {  	[dreg:$0x8] =	wrdreg $0x9  }
0xb8: {  	_ =	task.clear_ibuf [dreg:s10], $0x9FFFF;
	_ =	strace $0x90000046  }
0xb9: {  	s29 =	simm.s32 $0x9;
	_ =	strace $0x80000048  }
0xba: {  	_ =	swait.ge [sflag:s29], $0x1  }
0xbb: {  	[sflag:s29] =	ssyncadd.s32 $0xFFFFFFFF  }
0xbc: {  	_ =	strace $0x90000048  }
0xbd: {  	_ =	sfence  }
0xbe: {  	s30 =	sld [smem:$0x0];
	_ =	sdelay $0x2  }
0xbf: {  	s31 =	sshll.u32 s1, $0xD;
	s1 =	sshrl.u32 s1, $0x2  }
0xc0: {  	s3 =	sand.u32 $0x4000, s31;
	s1 =	sadd.s32 s1, s30  }
0xc1: {  	s0 =	sor.u32 s3, s0;
	s1 =	sshll.u32 s1, $0x11  }
0xc2: {  	s0 =	sor.u32 s1, s0  }
0xc3: {  	s0 =	sadd.s32 $0x8F2B, s0  }
0xc4: {  	[sflag:s0] =	ssyncadd.remote.s32 $0x1  }
0xc5: {  	_ =	sfence.sel $0xFFFF  }
0xc6: {  	[dreg:$0x0] =	wrdreg $0xFFFFFFFF;
	(pc) =	sbr.abs _section_cstart, $3  }
0xc7: {  	[dreg:$0x1] =	wrdreg $0xFFFFFFFF  }
0xc8: {  	_ =	task.clear_ibuf [dreg:s10], $0x2FFFF;
	_ =	strace $0x9FFFFFFF  }
0xc9: {  	(tm) =	ssettm $0x7FFFFFFF  }
tec
execute0_lowered:
.L_overlay_start_1:
0x0: {  	(tag) =	ssettag $0x1  }
0x1: {  	s0 =	rddreg [dreg:$0x3]  }
0x2: {  	s8 =	rddreg [dreg:$0x4]  }
0x3: {  	s5 =	rddreg [dreg:$0x5];
	s1 =	simm.s32 $0x0  }
0x4: {  	s25 =	srdreg.scid;
	s2 =	stileid.u32;
	s13 =	simm.s32 $0x3  }
0x5: {  	s14 =	simm.s32 $0x80;
	s15 =	simm.s32 $0x740;
	s17 =	simm.s32 $0x8340  }
0x6: {  	s21 =	simm.s32 $0x100;
	s22 =	simm.s32 $0x4740;
	s23 =	simm.s32 $0x2F0  }
0x7: {  	s24 =	simm.s32 $0xBB40;
	s28 =	simm.s32 $0x6740;
	s29 =	simm.s32 $0x370  }
0x8: {  	s30 =	simm.s32 $0xD740;
	s31 =	simm.s32 $0x1;
	s11 =	simm.s32 $0x78  }
0x9: {  	s12 =	simm.s32 $0x38;
	[smem:$0x7FF] =	sst s1;
	s1 =	sand.u32 $0x1, s25  }
0xa: {  	s7 =	sadd.s32 $0xF43000, s0;
	s6 =	sshll.u32 s2, $0xA;
	s0 =	sadd.s32 $0xA00, s0  }
0xb: {  	s10 =	sadd.s32 $0x8, s8;
	p0 =	sne.s32 s2, $0x0;
	s3 =	ssub.s32 $0x2, s1  }
0xc: {  	s25 =	simm.s32 $0x70;
	s8 =	simm.s32 $0x40;
	s4 =	sshrl.u32 s3, $0x1  }
0xd: {  	s2 =	simm.s32 $0x0;
	_ =	strace $0x80000047;
	s26 =	ssub.s32 s3, s4  }
0xe: {  	s1 =	sshll.u32 s1, $0x9;
	[dreg:$0x7] =	wrdreg s0;
	s0 =	smax.u32 s26, $0x1  }
0xf: {  	s9 =	sor.u32 s1, s6;
	[dreg:$0x8] =	wrdreg s0;
	s0 =	sshrl.u32 @!p0 s5, $0x3  }
0x10: {  	v0 =	vlaneseq.u32;
	s1 =	simm.s32 $0x2;
	s26 =	simm.s32 $0x180;
	[dreg:$0x9] =	wrdreg s0  }
.LBB2_1:
0x11: {  	[dreg:$0xa] =	wrdreg s2  }
0x12: {  	s2 =	rddreg [dreg:$0x7]  }
0x13: {  	s0 =	simm.s32 @!p0 $0x1C03;
	s3 =	rddreg [dreg:$0x9]  }
0x14: {  	[spmem:s3], [sflag:s0] =	dma.local @!p0 [hbm:s2], $0x2D8  }
0x15: {  	s0 =	simm.s32 @!p0 $0x3  }
0x16: {  	_ =	swait.ge @!p0 [sflag:s0], $0x2D8  }
0x17: {  	[sflag:s0] =	ssyncset.done @!p0 $0x0  }
0x18: {  	[sflag:s0] =	ssyncadd.s32 @!p0 $0xFFFFFD28  }
0x19: {  	s0 =	simm.s32 $0x0;
	[bflag:$0x0] =	sbarrier.arrive $0xFFFF  }
.LBB2_2:
0x1a: {  	s2 =	sshll.u32 s0, $0x4  }
0x1b: {  	s2 =	sadd.s32 s9, s2  }
0x1c: {  	s3 =	smul.u32 $0x1F, s2;
	_ =	sdelay $0x1  }
0x1d: {  	s16 =	rddreg [dreg:$0x0];
	s4 =	sshrl.u32 s3, $0x3  }
0x1e: {  	s3 =	simm.s32 $0x0;
	s6 =	sadd.s32 s16, s4  }
0x1f: {  	[tilespmem:s3], [sflag:$0x3] =	stream.linear.gather [hbm4b:s6+s3], $0x1F0, $0x38;
	[tilespmem:$0xEFC0] =	vst v63  }
0x20: {  	_ =	swait.ge [sflag:s13], $0x1F0  }
0x21: {  	[sflag:s13] =	ssyncset.done $0x0  }
0x22: {  	[sflag:s13] =	ssyncadd.s32 $0xFFFFFE10  }
0x23: {  	s18 =	rddreg [dreg:$0x1]  }
0x24: {  	s6 =	simm.s32 $0x1F0;
	s16 =	sadd.s32 s18, s4  }
0x25: {  	[tilespmem:s6], [sflag:$0x3] =	stream.linear.gather [hbm4b:s16+s3], $0x1F0, $0x38;
	[tilespmem:$0xEFC0] =	vst v63  }
0x26: {  	_ =	swait.ge [sflag:s13], $0x1F0  }
0x27: {  	[sflag:s13] =	ssyncset.done $0x0  }
0x28: {  	[sflag:s13] =	ssyncadd.s32 $0xFFFFFE10  }
0x29: {  	s19 =	rddreg [dreg:$0x2]  }
0x2a: {  	s16 =	sadd.s32 s19, s4;
	s4 =	simm.s32 $0x3E0  }
0x2b: {  	[tilespmem:s4], [sflag:$0x3] =	stream.linear.gather [hbm4b:s16+s3], $0x1F0, $0x38;
	[tilespmem:$0xEFC0] =	vst v63  }
0x2c: {  	_ =	swait.ge [sflag:s13], $0x1F0  }
0x2d: {  	v1 =	vor.u32 s3, v0;
	[sflag:s13] =	ssyncset.done $0x0  }
0x2e: {  	v2 =	vmul.u32 $0x211, v1;
	[sflag:s13] =	ssyncadd.s32 $0xFFFFFE10  }
0x2f: {  	v3 =	vld [tilespmem:s4+$0x0]  }
0x30: {  	v2 =	vshrl.u32 v2, $0xE;
	v4 =	vld [tilespmem:s3+$0x0]  }
0x31: {  	v2 =	vmul.u32 $0xFFFFFFE1, v2;
	_ =	sdelay $0x1  }
0x32: {  	v1 =	vadd.s32 v1, v2  }
0x33: {  	vm0 =	vlt.s32 v1, v3  }
0x34: {  	v1 =	vnsel vm0, $0xF4240, v4  }
0x35: {  	[tilespmem:s3+$0x0] =	vst v1  }
0x36: {  	v2 =	vld [tilespmem:s6+$0x0];
	_ =	sdelay $0x3  }
0x37: {  	s20 =	simm.s32 $0x10  }
0x38: {  	s18 =	simm.s32 $0x20;
	s16 =	simm.s32 $0x200;
	v1 =	vor.u32 s20, v0;
	v2 =	vnsel vm0, $0x0, v2  }
.LBB2_3:
0x39: {  	s4 =	sadd.s32 $0x10, s4;
	s3 =	sadd.s32 $0x10, s3  }
0x3a: {  	v3 =	vmul.u32 $0x211, v1;
	[tilespmem:s6+$0x0] =	vst v2;
	s19 =	smov.u32 s18;
	s20 =	sadd.s32 $0x10, s18;
	s6 =	smov.u32 s16  }
0x3b: {  	p1 =	sne.s32 s18, $0x1E0;
	v2 =	vld [tilespmem:s4+$0x0]  }
0x3c: {  	v3 =	vshrl.u32 v3, $0xE;
	v4 =	vld [tilespmem:s3+$0x0]  }
0x3d: {  	v3 =	vmul.u32 $0xFFFFFFE1, v3;
	_ =	sdelay $0x1  }
0x3e: {  	v1 =	vadd.s32 v1, v3  }
0x3f: {  	vm0 =	vlt.s32 v1, v2  }
0x40: {  	v1 =	vnsel vm0, $0xF4240, v4  }
0x41: {  	[tilespmem:s3+$0x0] =	vst v1  }
0x42: {  	v2 =	vld [tilespmem:s16+$0x0]  }
.Ltmp0:
0x43: {  	(pc) =	sbr.rel @p1 .LBB2_3-.Ltmp0, $2  }
0x44: {  	_ =	sdelay $0x2  }
0x45: {  	s18 =	smov.u32 s20;
	v1 =	vor.u32 s19, v0;
	s16 =	sadd.s32 $0x10, s16;
	v2 =	vnsel vm0, $0x0, v2  }
0x46: {  	[tilespmem:s6+$0x0] =	vst v2;
	v2 =	vmul.u32 $0x211, v1;
	s4 =	sadd.s32 $0x10, s4  }
0x47: {  	s3 =	sadd.s32 $0x10, s3;
	v3 =	vld [tilespmem:s4+$0x0]  }
0x48: {  	v4 =	vld [tilespmem:s3+$0x0];
	v2 =	vshrl.u32 v2, $0xE  }
0x49: {  	v2 =	vmul.u32 $0xFFFFFFE1, v2;
	_ =	sdelay $0x1  }
0x4a: {  	v1 =	vadd.s32 v1, v2  }
0x4b: {  	vm0 =	vlt.s32 v1, v3  }
0x4c: {  	v1 =	vnsel vm0, $0xF4240, v4  }
0x4d: {  	[tilespmem:s3+$0x0] =	vst v1  }
0x4e: {  	v1 =	vld [tilespmem:s16+$0x0];
	_ =	sdelay $0x4  }
0x4f: {  	v1 =	vnsel vm0, $0x0, v1  }
0x50: {  	s4 =	simm.s32 $0x0;
	[tilespmem:s16+$0x0] =	vst v1  }
0x51: {  	[tilespmem:s15], [sflag:$0x1] =	stream.indirect.gather [hbm4b:s7+s14], $0x40, s4, s14, $0xb8;
	[tilespmem:$0xEFC0] =	vst v63  }
0x52: {  	s6 =	simm.s32 $0x1F0  }
0x53: {  	[tilespmem:s17], [sflag:$0x2] =	stream.indirect.gather [spmem:s5], $0x38, s6, s14, $0xb8;
	[tilespmem:$0xEFC0] =	vst v63  }
0x54: {  	s16 =	simm.s32 $0x2740  }
0x55: {  	[tilespmem:s16], [sflag:$0x1] =	stream.indirect.gather [hbm4b:s7+s14], $0x40, s14, s14, $0xb8;
	[tilespmem:$0xEFC0] =	vst v63  }
0x56: {  	s18 =	simm.s32 $0x270;
	s19 =	simm.s32 $0x9F40  }
0x57: {  	[tilespmem:s19], [sflag:$0x2] =	stream.indirect.gather [spmem:s5], $0x38, s18, s14, $0xb8;
	[tilespmem:$0xEFC0] =	vst v63  }
0x58: {  	_ = 	snop  }
0x59: {  	[tilespmem:s22], [sflag:$0x1] =	stream.indirect.gather [hbm4b:s7+s14], $0x40, s21, s14, $0xb8;
	[tilespmem:$0xEFC0] =	vst v63  }
0x5a: {  	_ = 	snop  }
0x5b: {  	[tilespmem:s24], [sflag:$0x2] =	stream.indirect.gather [spmem:s5], $0x38, s23, s14, $0xb8;
	[tilespmem:$0xEFC0] =	vst v63  }
0x5c: {  	_ = 	snop  }
0x5d: {  	[tilespmem:s28], [sflag:$0x1] =	stream.indirect.gather [hbm4b:s7+s25], $0x40, s26, s25, $0xb8;
	[tilespmem:$0xEFC0] =	vst v63  }
0x5e: {  	_ = 	snop  }
0x5f: {  	[tilespmem:s30], [sflag:$0x2] =	stream.indirect.gather [spmem:s5], $0x38, s29, s25, $0xb8;
	[tilespmem:$0xEFC0] =	vst v63  }
0x60: {  	_ =	swait.ge [sflag:s31], $0x2000  }
0x61: {  	[sflag:s31] =	ssyncset.done $0x0  }
0x62: {  	[sflag:s31] =	ssyncadd.s32 $0xFFFFE000  }
0x63: {  	_ =	swait.ge [sflag:s1], $0x1C00  }
0x64: {  	[sflag:s1] =	ssyncset.done $0x0  }
0x65: {  	[sflag:s1] =	ssyncadd.s32 $0xFFFFE400  }
0x66: {  	_ =	swait.ge [sflag:s31], $0x2000  }
0x67: {  	[sflag:s31] =	ssyncset.done $0x0  }
0x68: {  	[sflag:s31] =	ssyncadd.s32 $0xFFFFE000  }
0x69: {  	_ =	swait.ge [sflag:s1], $0x1C00  }
0x6a: {  	[sflag:s1] =	ssyncset.done $0x0  }
0x6b: {  	[sflag:s1] =	ssyncadd.s32 $0xFFFFE400  }
0x6c: {  	_ =	swait.ge [sflag:s31], $0x2000  }
0x6d: {  	[sflag:s31] =	ssyncset.done $0x0  }
0x6e: {  	[sflag:s31] =	ssyncadd.s32 $0xFFFFE000  }
0x6f: {  	_ =	swait.ge [sflag:s1], $0x1C00  }
0x70: {  	[sflag:s1] =	ssyncset.done $0x0  }
0x71: {  	[sflag:s1] =	ssyncadd.s32 $0xFFFFE400  }
0x72: {  	_ =	swait.ge [sflag:s31], $0x1C00  }
0x73: {  	[sflag:s31] =	ssyncset.done $0x0  }
0x74: {  	[sflag:s31] =	ssyncadd.s32 $0xFFFFE400  }
0x75: {  	_ =	swait.ge [sflag:s1], $0x1880  }
0x76: {  	[sflag:s1] =	ssyncset.done $0x0  }
0x77: {  	s2 =	smul.u32 $0x1D1, s2;
	[sflag:s1] =	ssyncadd.s32 $0xFFFFE780  }
0x78: {  	s20 =	rddreg [dreg:$0x4]  }
0x79: {  	s3 =	sadd.s32 s20, s2  }
0x7a: {  	[hbm4b:s3+s8] =	stream.strided.scatter [tilespmem:s15], [sflag:$0x3], $0x7C00, s11, s8, $0x38;
	[tilespmem:$0xEFC0] =	vst v63  }
0x7b: {  	s0 =	sadd.s32 $0x1, s0;
	_ =	swait.ge [sflag:s13], $0x7C00  }
0x7c: {  	p1 =	sne.s32 s0, $0x20;
	[sflag:s13] =	ssyncset.done $0x0  }
.Ltmp1:
0x7d: {  	s2 =	sadd.s32 s2, s10;
	[sflag:s13] =	ssyncadd.s32 $0xFFFF8400;
	(pc) =	sbr.rel @p1 .LBB2_2-.Ltmp1, $4  }
0x7e: {  	[hbm4b:s2+s12] =	stream.strided.scatter [tilespmem:s17], [sflag:$0x3], $0x6C80, s11, s12, $0x38;
	[tilespmem:$0xEFC0] =	vst v63  }
0x7f: {  	_ =	swait.ge [sflag:s13], $0x6C80  }
0x80: {  	[sflag:s13] =	ssyncset.done $0x0  }
0x81: {  	[sflag:s13] =	ssyncadd.s32 $0xFFFF9380  }
0x82: {  	s2 =	rddreg [dreg:$0xa]  }
0x83: {  	s0 =	rddreg [dreg:$0x8];
	s2 =	sadd.s32 $0x1, s2  }
0x84: {  	p1 =	sne.s32 s2, s0  }
.Ltmp2:
0x85: {  	_ = 	snop;
	(pc) =	sbr.rel @p1 .LBB2_1-.Ltmp2, $1  }
0x86: {  	_ =	sdelay $0x3  }
0x87: {  	_ =	sfence.sel $0x180000  }
0x88: {  	[bflag:$0x0] =	sbarrier.arrive $0xFFFF  }
0x89: {  	_ =	strace $0x90000047  }
0x8a: {  	[bflag:$0x2] =	sbarrier.arrive $0xFFFF  }
0x8b: {  	s0 =	rddreg [dreg:$0x6]  }
0x8c: {  	s0 =	sadd.s32 @!p0 $0x100000, s0  }
0x8d: {  	[sflag:s0] =	ssyncadd.tile.s32 @!p0 $0x1;
	_ =	shalt  }
.Lfunc_end2:
_tile_overlayer_lowered:
.L_overlay_start_2:
0x8e: {  	(tag) =	ssettag $0x2  }
0x8f: {  	s0 =	rddreg [dreg:$0x0];
	s2 =	stileid.u32  }
0x90: {  	s1 =	rddreg [dreg:$0x1];
	p0 =	sne.s32 s2, $0x0  }
0x91: {  	s3 =	rddreg [dreg:$0x2];
	[bflag:$0x3] =	sbarrier.arrive $0xFFFF;
	s2 =	simm.s32 @!p0 $0x1C03  }
0x92: {  	[timem:s3], [sflag:s2] =	dma.local @!p0 [hbm:s0], s1  }
0x93: {  	s0 =	simm.s32 @!p0 $0x3  }
0x94: {  	_ =	swait.ge @!p0 [sflag:s0], s1  }
0x95: {  	s1 =	ssub.s32 @!p0 $0x0, s1;
	[sflag:s0] =	ssyncset.done @!p0 $0x0  }
0x96: {  	[sflag:s0] =	ssyncadd.s32 @!p0 s1  }
0x97: {  	[bflag:$0x3] =	sbarrier.arrive $0xFFFF  }
0x98: {  	_ =	shalt  }

// kernel: sparse-core-data-format-call.cloned.1.call-start
scs
called_computation_lowered:
.L_overlay_start_0:
0x0: {  	s2 =	sld [smem:$0x3FD9]  }
0x1: {  	s3 =	sld [smem:$0x3FFE];
	_ =	sdelay $0x1  }
0x2: {  	s1 =	srdreg.scid  }
0x3: {  	s0 =	sand.u32 $0x1, s1  }
0x4: {  	s18 =	sshll.u32 s0, $0xA;
	s2 =	sadd.s32 s3, s2  }
0x5: {  	s2 =	sadd.s32 s2, s18  }
0x6: {  	[smem:$0x3FC3] =	sst s2  }
0x7: {  	_ = 	snop  }
0x8: {  	s2 =	sld [smem:$0x3FD0];
	(tm) =	ssettm $0x1  }
0x9: {  	s19 =	sld [smem:$0x3FFB];
	_ =	sdelay $0x3  }
0xa: {  	_ =	strace s19  }
0xb: {  	s3 =	sld [smem:$0x3FFC];
	_ =	sdelay $0x3  }
0xc: {  	_ =	strace s3  }
0xd: {  	s3 =	sld [smem:$0x3FFD];
	_ =	sdelay $0x3  }
0xe: {  	_ =	strace s3  }
0xf: {  	_ =	strace $0x8FFFFFFF  }
0x10: {  	s20 =	sld [smem:$0x3FDB];
	_ =	sdelay $0x1  }
0x11: {  	s4 =	simm.s32 $_scs_section_size  }
0x12: {  	s5 =	simm.s32 $_size__tile_overlayer_lowered;
	s6 =	simm.s32 $_tile_overlayer_lowered  }
0x13: {  	s23 =	simm.s32 $0x1BFF;
	s22 =	sshll.u32 s6, $0x1;
	s3 =	sadd.s32 s4, s20  }
0x14: {  	s7 =	simm.s32 $0x0;
	s21 =	sshll.u32 s5, $0x1;
	s5 =	sadd.s32 s22, s3  }
0x15: {  	[timem:s7], [sflag:s23] =	dma.local [hbm:s5], s21  }
0x16: {  	_ =	swait.ge [sflag:s23], s21  }
0x17: {  	s4 =	ssub.s32 $0x0, s21;
	[sflag:s23] =	ssyncset.done $0x0  }
0x18: {  	[sflag:s23] =	ssyncadd.s32 s4;
	_ =	sdelay $0x1  }
0x19: {  	s24 =	simm.s32 $0x1B8B  }
0x1a: {  	_ =	swait.ge [sflag:s24], $0x1  }
0x1b: {  	[sflag:s24] =	ssyncset.done $0x0  }
0x1c: {  	s26 =	simm.s32 $0x1B8E;
	s25 =	sld [smem:$0x3FFE];
	[sflag:s24] =	ssyncadd.s32 $0xFFFFFFFF  }
0x1d: {  	s27 =	simm.s32 $execute0_lowered;
	[smem:$0x3FD2] =	sst s26  }
0x1e: {  	s5 =	sshll.u32 s27, $0x1;
	_ =	strace $0x80000049;
	[dreg:$0x1] =	wrdreg $0xFFFFFFFF  }
0x1f: {  	s28 =	simm.s32 $_size_execute0_lowered;
	s3 =	sadd.s32 s3, s5;
	[dreg:$0x0] =	wrdreg $0x0  }
0x20: {  	s5 =	sshll.u32 s28, $0x1;
	[dreg:$0x2] =	wrdreg s3  }
0x21: {  	[dreg:$0x3] =	wrdreg s5  }
0x22: {  	[dreg:$0x4] =	wrdreg $0xC0  }
0x23: {  	_ =	task [dreg:s7], $0x5FFFF  }
0x24: {  	[dreg:$0x1] =	wrdreg $0xFFFFFFFF  }
0x25: {  	[dreg:$0x0] =	wrdreg $0x60  }
0x26: {  	[dreg:$0x2] =	wrdreg s25  }
0x27: {  	[dreg:$0x3] =	wrdreg s2  }
0x28: {  	[dreg:$0x4] =	wrdreg $0x9  }
0x29: {  	_ =	task.clear_ibuf [dreg:s7], $0x5FFFF;
	_ =	strace $0x90000049  }
0x2a: {  	s29 =	simm.s32 $0x9;
	_ =	strace $0x8000004B  }
0x2b: {  	_ =	swait.ge [sflag:s29], $0x1  }
0x2c: {  	[sflag:s29] =	ssyncadd.s32 $0xFFFFFFFF  }
0x2d: {  	_ =	strace $0x9000004B  }
0x2e: {  	_ =	sfence  }
0x2f: {  	s30 =	sld [smem:$0x0];
	_ =	sdelay $0x2  }
0x30: {  	s31 =	sshll.u32 s1, $0xD;
	s1 =	sshrl.u32 s1, $0x2  }
0x31: {  	s3 =	sand.u32 $0x4000, s31;
	s1 =	sadd.s32 s1, s30  }
0x32: {  	s0 =	sor.u32 s3, s0;
	s1 =	sshll.u32 s1, $0x11  }
0x33: {  	s0 =	sor.u32 s1, s0  }
0x34: {  	s0 =	sadd.s32 $0x8F2B, s0  }
0x35: {  	[sflag:s0] =	ssyncadd.remote.s32 $0x1  }
0x36: {  	_ =	sfence.sel $0xFFFF  }
0x37: {  	[dreg:$0x0] =	wrdreg $0xFFFFFFFF;
	(pc) =	sbr.abs _section_cstart, $3  }
0x38: {  	[dreg:$0x1] =	wrdreg $0xFFFFFFFF  }
0x39: {  	_ =	task.clear_ibuf [dreg:s7], $0x2FFFF;
	_ =	strace $0x9FFFFFFF  }
0x3a: {  	(tm) =	ssettm $0x7FFFFFFF  }
0x3b: {  	_ =	shalt  }
tec
execute0_lowered:
.L_overlay_start_1:
0x0: {  	(tag) =	ssettag $0x1  }
0x1: {  	s0 =	srdreg.scid  }
0x2: {  	s5 =	rddreg [dreg:$0x0];
	s1 =	sshll.u32 s0, $0x4  }
0x3: {  	s2 =	rddreg [dreg:$0x1];
	s0 =	stileid.u32;
	s1 =	sand.u32 $0x10, s1  }
0x4: {  	s4 =	simm.s32 $0x1;
	s8 =	simm.s32 $0x2;
	s1 =	sor.u32 s0, s1  }
0x5: {  	s12 =	simm.s32 $0x0;
	s9 =	simm.s32 $0x0;
	s3 =	sshll.u32 s1, $0x7  }
0x6: {  	s11 =	simm.s32 $0x0;
	s5 =	sadd.s32 $0xA00, s5;
	s6 =	ssub.s32 $0x7C000, s3  }
.Ltmp0:
0x7: {  	s1 =	rddreg [dreg:$0x2];
	s7 =	sand.u32 $0xF80, s6;
	(pc) =	sbr.rel .LBB1_1-.Ltmp0, $4  }
0x8: {  	_ =	strace $0x8000004A;
	p0 =	sne.s32 s7, $0x0;
	s7 =	simm.s32 $0x1  }
0x9: {  	[sflag:s4] =	ssyncpa.u1 $0x0;
	s6 =	sshrl.u32 s6, $0xC;
	s7 =	simm.s32 @!p0 $0x0  }
0xa: {  	s10 =	smov.u32 s3;
	[sflag:s8] =	ssyncpa.u1 $0x0;
	s6 =	sadd.s32 s7, s6  }
0xb: {  	s8 =	simm.s32 $0x3E0000;
	p0 =	por $0x0, $0x0;
	s7 =	sadd.s32 $0x1, s6  }
.LBB1_4:
0xc: {  	s18 =	sshll.u32 s9, $0x3  }
0xd: {  	s19 =	sshrl.u32 s18, $0xE  }
0xe: {  	v5 =	vld [tilespmem:s14+$0xFFFFFFD0];
	[tilespmem:s16+$0x2040 ss:$0x81] =	vst.msk $0xffff, v2;
	s19 =	smulhi.u32 $0x8421085, s19  }
0xf: {  	v58 =	vld [tilespmem:s14+$0xFFFFFFE0];
	[tilespmem:s16+$0x2850 ss:$0x81] =	vst.msk $0xffff, v3;
	s17 =	sshra.s32 s17, $0x2;
	s20 =	sand.u32 $0x7F, s9  }
0x10: {  	v59 =	vld [tilespmem:s14+$0xFFFFFFF0];
	[tilespmem:s16+$0x3060 ss:$0x81] =	vst.msk $0xffff, v4;
	p1 =	sgt.s32 s9, $0x7BF80;
	s18 =	sand.u32 $0xFFFFFC00, s18;
	s21 =	smul.u32 $0x4445, s19  }
0x11: {  	v60 =	vld [tilespmem:s14+$0x0];
	[tilespmem:s16+$0x0 ss:$0x81] =	vst.msk $0xffff, v0;
	s25 =	sshra.s32 s9, $0x1F;
	s15 =	sadd.s32 s17, s15;
	s22 =	sor.u32 s20, s18  }
0x12: {  	v61 =	vld [tilespmem:s14+$0x10];
	[tilespmem:s15+$0x3870 ss:$0x81] =	vst.msk $0xffff, v1;
	s20 =	smov.u32 s9;
	s23 =	smul.u32 $0x7C000, s19;
	s24 =	sshrl.u32 s21, $0x15  }
0x13: {  	v62 =	vld [tilespmem:s14+$0x20];
	s20 =	simm.s32 @!p1 $0x7BF80;
	[tilespmem:s15+$0x810 ss:$0x81] =	vst.msk $0xffff, v5;
	s21 =	sand.u32 s25, s9;
	s18 =	smul.u32 $0x78, s24  }
0x14: {  	v63 =	vld [tilespmem:s14+$0xFFFFFFC0];
	[tilespmem:s15+$0x1020 ss:$0x81] =	vst.msk $0xffff, v58;
	s26 =	ssub.s32 s22, s23;
	s27 =	ssub.s32 s20, s21  }
0x15: {  	[tilespmem:s15+$0x1830 ss:$0x81] =	vst.msk $0xffff, v59;
	s30 =	sshrl.u32 s26, $0x3;
	s16 =	ssub.s32 $0x7C000, s27;
	s28 =	ssub.s32 s19, s18  }
0x16: {  	[tilespmem:s15+$0x2040 ss:$0x81] =	vst.msk $0xffff, v60;
	s14 =	sand.u32 $0x7, s26;
	s16 =	smul.u32 $0x1E0, s16;
	s17 =	sand.u32 $0xFFFF, s28  }
0x17: {  	[tilespmem:s15+$0x2850 ss:$0x81] =	vst.msk $0xffff, v61;
	s29 =	sadd.s32 $0xFFF84080, s27;
	s14 =	sshll.u32 s14, $0x12;
	s17 =	smul.u32 $0xF800, s17  }
0x18: {  	[tilespmem:s15+$0x3060 ss:$0x81] =	vst.msk $0xffff, v62;
	p1 =	sgt.s32 s29, $0x7F;
	s18 =	sadd.s32 s2, s30;
	s16 =	sshrl.u32 s16, $0x2  }
0x19: {  	[tilespmem:s15+$0x0 ss:$0x81] =	vst.msk $0xffff, v63;
	s14 =	sor.u32 $0x400, s14;
	s16 =	simm.s32 @p1 $0x0;
	s31 =	sadd.s32 s17, s18  }
0x1a: {  	[hbm4b:s31+s14] =	stream.strided.scatter [tilespmem:s13], [sflag:$0x2], s16, s8, s14, $0x20;
	[tilespmem:$0x10100] =	vst v63  }
.LBB1_5:
0x1b: {  	p1 =	slt.u32 s11, $0x2  }
0x1c: {  	p2 =	sgt.s32 @!p1 s12, $0x7BF80  }
0x1d: {  	s13 =	smov.u32 s12;
	s14 =	sshra.s32 @!p1 s12, $0x1F;
	p2 =	por !p2, p1  }
0x1e: {  	s12 =	sand.u32 @!p1 s14, s12;
	s13 =	simm.s32 @p2 $0x7BF80  }
0x1f: {  	s12 =	ssub.s32 @!p1 s13, s12  }
0x20: {  	s13 =	ssub.s32 @!p1 $0x7C000, s12  }
0x21: {  	s12 =	sadd.s32 @!p1 $0xFFF84080, s12;
	s13 =	smul.u32 @!p1 $0x1E0, s13  }
0x22: {  	p2 =	sgt.s32 @!p1 s12, $0x7F  }
0x23: {  	s14 =	sadd.s32 $0x1000, s10;
	p2 =	por !p2, p1;
	s12 =	sshrl.u32 @!p1 s13, $0x2  }
0x24: {  	s12 =	simm.s32 @!p2 $0x0;
	p2 =	sgt.s32 s14, $0x7BFFF  }
0x25: {  	s14 =	smov.u32 @p2 s3;
	p2 =	sne.s32 s11, s7  }
.Ltmp1:
0x26: {  	_ = 	snop;
	(pc) =	sbr.rel @!p2 .LBB1_6-.Ltmp1, $4  }
0x27: {  	s13 =	simm.s32 @!p1 $0x2  }
0x28: {  	p0 =	por !p0, !p0;
	_ =	swait.ge @!p1 [sflag:s13], s12;
	s15 =	ssub.s32 @!p1 $0x0, s12  }
0x29: {  	s12 =	smov.u32 s9;
	s11 =	sadd.s32 $0x1, s11;
	[sflag:s13] =	ssyncset.done @!p1 $0x0  }
0x2a: {  	s9 =	smov.u32 s10;
	s10 =	smov.u32 s14;
	[sflag:s13] =	ssyncadd.s32 @!p1 s15  }
.LBB1_1:
0x2b: {  	p1 =	sge.u32 s11, s6  }
0x2c: {  	s13 =	sand.u32 @!p1 $0x1FFFFFF, s10  }
0x2d: {  	s14 =	smulhi.u32 @!p1 $0x1084211, s13;
	_ =	sdelay $0x1  }
0x2e: {  	s14 =	sshrl.u32 @!p1 s14, $0xB  }
0x2f: {  	s14 =	smul.u32 @!p1 $0x7C000, s14;
	_ =	sdelay $0x1  }
0x30: {  	s15 =	sxor.u32 @!p1 $0xFFFFFFFF, s11;
	s13 =	ssub.s32 @!p1 s13, s14  }
0x31: {  	s31 =	sadd.s32 $0xFFFFFFFF, s11;
	s14 =	sshll.u32 @!p1 s15, $0xE;
	s13 =	sshll.u32 @!p1 s13, $0x4  }
0x32: {  	s15 =	simm.s32 @!p1 $0x0;
	s14 =	sand.u32 @!p1 $0x4000, s14;
	s13 =	sadd.s32 @!p1 s5, s13  }
0x33: {  	[tilespmem:s14], [sflag:$0x1] =	stream.linear.gather @!p1 [hbm4b:s13+s15], $0x4000, $0x38;
	[tilespmem:$0x10100] =	vst v63  }
0x34: {  	p1 =	sge.u32 s31, s6  }
.Ltmp2:
0x35: {  	_ = 	snop;
	(pc) =	sbr.rel @p1 .LBB1_5-.Ltmp2, $1  }
0x36: {  	_ =	sdelay $0x3  }
0x37: {  	s13 =	simm.s32 $0x1  }
0x38: {  	_ =	swait.ge [sflag:s4], $0x4000;
	s13 =	simm.s32 @!p0 $0x0  }
0x39: {  	[sflag:s4] =	ssyncset.done $0x0;
	s14 =	sshll.u32 s13, $0xE  }
0x3a: {  	[sflag:s4] =	ssyncadd.s32 $0xFFFFC000;
	s14 =	sor.u32 $0x40, s14  }
0x3b: {  	s13 =	smul.u32 $0x10200, s13;
	v0 =	vld [tilespmem:s14+$0x30]  }
0x3c: {  	v1 =	vld [tilespmem:s14+$0xFFFFFFD0]  }
0x3d: {  	s13 =	sshrl.u32 s13, $0x2;
	v5 =	vld [tilespmem:s14+$0xFFFFFFE0]  }
0x3e: {  	v6 =	vld [tilespmem:s14+$0xFFFFFFF0];
	s15 =	sor.u32 $0x8000, s13  }
0x3f: {  	s31 =	sand.u32 $0x1, s11;
	v2 =	vld [tilespmem:s14+$0x0];
	s16 =	sadd.s32 $0x0, s15  }
0x40: {  	v3 =	vld [tilespmem:s14+$0x10];
	s13 =	smul.u32 $0x10200, s31;
	[tilespmem:s16+$0x3870 ss:$0x81] =	vst.msk $0xffff, v0  }
0x41: {  	v4 =	vld [tilespmem:s14+$0x20];
	[tilespmem:s16+$0x810 ss:$0x81] =	vst.msk $0xffff, v1  }
0x42: {  	s13 =	sshrl.u32 s13, $0x2;
	v0 =	vld [tilespmem:s14+$0xFFFFFFC0];
	[tilespmem:s16+$0x1020 ss:$0x81] =	vst.msk $0xffff, v5;
	s14 =	sadd.s32 $0x80, s14  }
0x43: {  	s17 =	simm.s32 $0x4;
	s18 =	simm.s32 $0x8;
	s13 =	sor.u32 $0x8000, s13;
	[tilespmem:s16+$0x1830 ss:$0x81] =	vst.msk $0xffff, v6;
	v1 =	vld [tilespmem:s14+$0x30]  }
.LBB1_3:
0x44: {  	p1 =	sne.s32 s18, $0x1FC;
	v5 =	vld [tilespmem:s14+$0xFFFFFFD0];
	[tilespmem:s16+$0x2040 ss:$0x81] =	vst.msk $0xffff, v2  }
0x45: {  	v6 =	vld [tilespmem:s14+$0xFFFFFFE0];
	[tilespmem:s16+$0x2850 ss:$0x81] =	vst.msk $0xffff, v3  }
0x46: {  	s19 =	sshra.s32 s17, $0x2;
	s17 =	smov.u32 s18;
	v7 =	vld [tilespmem:s14+$0xFFFFFFF0];
	[tilespmem:s16+$0x3060 ss:$0x81] =	vst.msk $0xffff, v4  }
.Ltmp3:
0x47: {  	v2 =	vld [tilespmem:s14+$0x0];
	[tilespmem:s16+$0x0 ss:$0x81] =	vst.msk $0xffff, v0;
	s16 =	sadd.s32 s19, s15;
	(pc) =	sbr.rel @p1 .LBB1_3-.Ltmp3, $4  }
0x48: {  	v3 =	vld [tilespmem:s14+$0x10];
	[tilespmem:s16+$0x3870 ss:$0x81] =	vst.msk $0xffff, v1  }
0x49: {  	[tilespmem:s16+$0x810 ss:$0x81] =	vst.msk $0xffff, v5;
	v4 =	vld [tilespmem:s14+$0x20]  }
0x4a: {  	v0 =	vld [tilespmem:s14+$0xFFFFFFC0];
	[tilespmem:s16+$0x1020 ss:$0x81] =	vst.msk $0xffff, v6;
	s14 =	sadd.s32 $0x80, s14  }
0x4b: {  	s18 =	sadd.s32 $0x4, s18;
	v1 =	vld [tilespmem:s14+$0x30];
	[tilespmem:s16+$0x1830 ss:$0x81] =	vst.msk $0xffff, v7  }
.Ltmp4:
0x4c: {  	_ = 	snop;
	(pc) =	sbr.rel .LBB1_4-.Ltmp4, $1  }
0x4d: {  	_ =	sdelay $0x3  }
.LBB1_6:
0x4e: {  	_ =	sfence.sel $0x180000  }
0x4f: {  	s2 =	simm.s32 $0x1;
	[bflag:$0x0] =	sbarrier.arrive $0xFFFF  }
0x50: {  	s31 =	simm.s32 $0x2;
	[sflag:s2] =	ssyncpa.u1 $0x1  }
0x51: {  	[sflag:s31] =	ssyncpa.u1 $0x1  }
0x52: {  	p0 =	sne.s32 s0, $0x0;
	_ =	strace $0x9000004A  }
0x53: {  	s0 =	sadd.s32 @!p0 $0x100000, s1;
	[bflag:$0x2] =	sbarrier.arrive $0xFFFF  }
0x54: {  	[sflag:s0] =	ssyncadd.tile.s32 @!p0 $0x1;
	_ =	shalt  }
.Lfunc_end1:
_tile_overlayer_lowered:
.L_overlay_start_2:
0x55: {  	(tag) =	ssettag $0x2  }
0x56: {  	s0 =	rddreg [dreg:$0x0];
	s2 =	stileid.u32  }
0x57: {  	s1 =	rddreg [dreg:$0x1];
	p0 =	sne.s32 s2, $0x0  }
0x58: {  	s3 =	rddreg [dreg:$0x2];
	[bflag:$0x3] =	sbarrier.arrive $0xFFFF;
	s2 =	simm.s32 @!p0 $0x1C01  }
0x59: {  	[timem:s3], [sflag:s2] =	dma.local @!p0 [hbm:s0], s1  }
0x5a: {  	s0 =	simm.s32 @!p0 $0x1  }
0x5b: {  	_ =	swait.ge @!p0 [sflag:s0], s1  }
0x5c: {  	s1 =	ssub.s32 @!p0 $0x0, s1;
	[sflag:s0] =	ssyncset.done @!p0 $0x0  }
0x5d: {  	[sflag:s0] =	ssyncadd.s32 @!p0 s1  }
0x5e: {  	[bflag:$0x3] =	sbarrier.arrive $0xFFFF  }
0x5f: {  	_ =	shalt  }

</sc_bundles>
